<compile_context>
chip_gen: v7x
topology: tpu7x:2x2x1
jax: 0.10.2.dev20260603
libtpu: 0.0.44.dev20260713+nightly
codegen_flags: <defaults>
</compile_context>

<pallas_src>
import functools
import math

import jax
import jax.numpy as jnp
from jax import lax
from jax.experimental import pallas as pl
from jax.experimental.pallas import tpu as pltpu
from jax.experimental.pallas import tpu_sc as plsc

_BN_EPS = 1e-5
_BN_S = 1.0 / math.sqrt(1.0 + _BN_EPS)

_NC = 2
_NS = 16
_NW = _NC * _NS

_CHUNK = 96


def _agg_body(n_nodes, n_acc, emb, n_chunks,
              x_hbm, src_hbm, dst_hbm, out_hbm,
              acc, src_i, db0, db1, db2, buf0, buf1, buf2,
              sem_i, gsem0, gsem1, gsem2, ssem0, ssem1, ssem2):
    cid = lax.axis_index("c")
    sid = lax.axis_index("s")
    wid = sid * _NC + cid

    e_per_tile = n_chunks * _CHUNK
    ebase = wid * e_per_tile

    cp_s = pltpu.async_copy(src_hbm.at[pl.ds(ebase, e_per_tile)], src_i, sem_i)

    bufs = (buf0, buf1, buf2)
    dbs = (db0, db1, db2)
    gsems = (gsem0, gsem1, gsem2)
    ssems = (ssem0, ssem1, ssem2)

    def _issue(j, s):
        pltpu.async_copy(dst_hbm.at[pl.ds(ebase + j * _CHUNK, _CHUNK)],
                         dbs[s], gsems[s])
        off = pl.multiple_of(j * _CHUNK, 8)
        pltpu.async_copy(x_hbm.at[src_i.at[pl.ds(off, _CHUNK)]], bufs[s], gsems[s])

    def _complete(s):
        pltpu.make_async_copy(x_hbm.at[src_i.at[pl.ds(0, _CHUNK)]],
                              bufs[s], gsems[s]).wait()
        pltpu.make_async_copy(dst_hbm.at[pl.ds(0, _CHUNK)], dbs[s], gsems[s]).wait()
        pltpu.async_copy(bufs[s], acc.at[dbs[s]], ssems[s], add=True)

    def _swait(s):
        pltpu.make_async_copy(x_hbm.at[src_i.at[pl.ds(0, _CHUNK)]],
                              bufs[s], ssems[s]).wait()

    def _z(i, carry):
        r = i // (emb // 16)
        c = (i % (emb // 16)) * 16
        buf0[r, pl.ds(c, 16)] = jnp.zeros((16,), jnp.float32)
        return carry
    lax.fori_loop(0, _CHUNK * (emb // 16), _z, 0)

    rows_per_tile = n_acc // _NS
    nfull = rows_per_tile // _CHUNK
    rem = rows_per_tile - nfull * _CHUNK
    for k in range(nfull):
        pltpu.async_copy(buf0, acc.at[pl.ds(sid * rows_per_tile + k * _CHUNK, _CHUNK)],
                         ssems[k % 3])
    if rem:
        pltpu.async_copy(buf0.at[pl.ds(0, rem)],
                         acc.at[pl.ds(sid * rows_per_tile + nfull * _CHUNK, rem)],
                         ssems[nfull % 3])
    cp_s.wait()
    _issue(1, 1)
    _issue(2, 2)
    for k in range(nfull):
        pltpu.make_async_copy(
            buf0, acc.at[pl.ds(sid * rows_per_tile + k * _CHUNK, _CHUNK)],
            ssems[k % 3]).wait()
    if rem:
        pltpu.make_async_copy(
            buf0.at[pl.ds(0, rem)],
            acc.at[pl.ds(sid * rows_per_tile + nfull * _CHUNK, rem)],
            ssems[nfull % 3]).wait()
    _issue(0, 0)
    plsc.subcore_barrier()

    nround = n_chunks // 3
    ntail = n_chunks - 3 * nround

    def _round(k, carry):
        j = 3 * k
        for s in range(3):
            _complete(s)
        for s in range(3):
            _swait(s)
            _issue(j + 3 + s, s)
        return carry
    lax.fori_loop(0, nround - 1, _round, 0)
    for s in range(3):
        _complete(s)
    for s in range(ntail):
        _swait(s)
        _issue(3 * nround + s, s)
    for s in range(ntail):
        _complete(s)
    for s in range(3):
        _swait(s)
    plsc.subcore_barrier()

    last_rows = n_nodes - (_NS - 1) * rows_per_tile
    wrows = (rows_per_tile // 16) * 8
    @pl.when(sid < _NS - 1)
    def _():
        pltpu.async_copy(acc.at[pl.ds(sid * rows_per_tile, wrows)],
                         out_hbm.at[cid, pl.ds(sid * rows_per_tile, wrows)],
                         gsems[0])
        pltpu.async_copy(
            acc.at[pl.ds(sid * rows_per_tile + wrows, rows_per_tile - wrows)],
            out_hbm.at[cid, pl.ds(sid * rows_per_tile + wrows,
                                  rows_per_tile - wrows)],
            gsems[1])
        pltpu.make_async_copy(
            acc.at[pl.ds(sid * rows_per_tile, wrows)],
            out_hbm.at[cid, pl.ds(sid * rows_per_tile, wrows)], gsems[0]).wait()
        pltpu.make_async_copy(
            acc.at[pl.ds(sid * rows_per_tile + wrows, rows_per_tile - wrows)],
            out_hbm.at[cid, pl.ds(sid * rows_per_tile + wrows,
                                  rows_per_tile - wrows)],
            gsems[1]).wait()
    @pl.when(sid == _NS - 1)
    def _():
        pltpu.sync_copy(acc.at[pl.ds((_NS - 1) * rows_per_tile, last_rows)],
                        out_hbm.at[cid, pl.ds((_NS - 1) * rows_per_tile, last_rows)])


@functools.partial(jax.jit, static_argnames=("n_nodes", "emb", "e_pad"))
def _sc_agg(x, src, dst, *, n_nodes, emb, e_pad):
    n_acc = ((n_nodes + _NS * 8 - 1) // (_NS * 8)) * (_NS * 8)
    if n_acc == n_nodes:
        n_acc += _NS * 8
    e_per_tile = e_pad // _NW
    n_chunks = e_per_tile // _CHUNK
    body = functools.partial(_agg_body, n_nodes, n_acc, emb, n_chunks)
    return pl.kernel(
        body,
        out_type=jax.ShapeDtypeStruct((_NC, n_nodes, emb), jnp.float32),
        mesh=plsc.VectorSubcoreMesh(core_axis_name="c", subcore_axis_name="s"),
        scratch_types=[
            pltpu.VMEM_SHARED((n_acc, emb), jnp.float32),
            pltpu.VMEM((n_chunks * _CHUNK,), jnp.int32),
            pltpu.VMEM((_CHUNK,), jnp.int32),
            pltpu.VMEM((_CHUNK,), jnp.int32),
            pltpu.VMEM((_CHUNK,), jnp.int32),
            pltpu.VMEM((_CHUNK, emb), jnp.float32),
            pltpu.VMEM((_CHUNK, emb), jnp.float32),
            pltpu.VMEM((_CHUNK, emb), jnp.float32),
            pltpu.SemaphoreType.DMA,
            pltpu.SemaphoreType.DMA,
            pltpu.SemaphoreType.DMA,
            pltpu.SemaphoreType.DMA,
            pltpu.SemaphoreType.DMA,
            pltpu.SemaphoreType.DMA,
            pltpu.SemaphoreType.DMA,
        ],
    )(x, src, dst)


_DN_T = (((1,), (1,)), ((), ()))


def _mlp_body(out_relu, eps_ref, x_ref, p_ref, w1_ref, b1_ref, w2_ref, b2_ref, o_ref):
    h = (1.0 + eps_ref[0]) * x_ref[...] + p_ref[0] + p_ref[1]
    t = lax.dot_general(h, w1_ref[...], _DN_T,
                        preferred_element_type=jnp.float32) + b1_ref[...]
    t = jnp.maximum(t * _BN_S, 0.0)
    o = lax.dot_general(t, w2_ref[...], _DN_T,
                        preferred_element_type=jnp.float32) + b2_ref[...]
    if out_relu:
        o = jnp.maximum(o * _BN_S, 0.0)
    o_ref[...] = o


@functools.partial(jax.jit, static_argnames=("out_relu", "blk"))
def _tc_mlp(x, p, w1, b1, w2, b2, eps, *, out_relu, blk):
    n, d = x.shape
    dh = w1.shape[0]
    grid = (n // blk,)
    return pl.pallas_call(
        functools.partial(_mlp_body, out_relu),
        grid=grid,
        in_specs=[
            pl.BlockSpec(memory_space=pltpu.SMEM),
            pl.BlockSpec((blk, d), lambda i: (i, 0)),
            pl.BlockSpec((_NC, blk, d), lambda i: (0, i, 0)),
            pl.BlockSpec((dh, d), lambda i: (0, 0)),
            pl.BlockSpec((dh,), lambda i: (0,)),
            pl.BlockSpec((d, dh), lambda i: (0, 0)),
            pl.BlockSpec((d,), lambda i: (0,)),
        ],
        out_specs=pl.BlockSpec((blk, d), lambda i: (i, 0)),
        out_shape=jax.ShapeDtypeStruct((n, d), jnp.float32),
    )(eps, x, p, w1, b1, w2, b2)


def kernel(x, edge_index, params):
    n, d = x.shape
    e = edge_index.shape[1]
    src = edge_index[0]
    dst = edge_index[1]
    step = _NW * _CHUNK
    nsteps = (e + step - 1) // step
    if nsteps < 5:
        nsteps = 5
    if nsteps % 2 == 0:
        nsteps += 1
    e_pad = nsteps * step
    if e_pad != e:
        n_acc = ((n + _NS * 8 - 1) // (_NS * 8)) * (_NS * 8)
        spare = (n_acc - n) if n_acc != n else _NS * 8
        npad = e_pad - e
        src = jnp.concatenate([src, jnp.arange(npad, dtype=jnp.int32) % n])
        dst = jnp.concatenate(
            [dst, n + (jnp.arange(npad, dtype=jnp.int32) % spare)])

    h = x
    nl = len(params)
    for i in range(nl):
        p = params[i]
        partials = _sc_agg(h, src, dst, n_nodes=n, emb=d, e_pad=e_pad)
        h = _tc_mlp(h, partials, p["W1"], p["b1"], p["W2"], p["b2"],
                    p["eps"].reshape(1), out_relu=(i < nl - 1), blk=2000)
    return h

# --- scband reference (transcript-rebuilt; emitter-appended) ---
"""Pipeline reference for scband-gin-85736137163003 (READ-ONLY COPY).

The authoritative reference and input builder live on the scoring server;
editing this copy changes nothing except your own understanding.
"""

import jax, jax.numpy as jnp
import numpy as np

EMB_DIM = 128
NUM_LAYERS = 3
N_NODES = 10000
N_EDGES = 320000
BN_EPS = 1e-5


def _make_params(key):
    params = []
    for i in range(NUM_LAYERS):
        k1, k2, k3, k4, key = jax.random.split(key, 5)
        d = EMB_DIM
        params.append({
            'W1': jax.random.normal(k1, (2 * d, d), dtype=jnp.float32) * (1.0 / np.sqrt(d)),
            'b1': jnp.zeros((2 * d,), dtype=jnp.float32),
            'W2': jax.random.normal(k2, (d, 2 * d), dtype=jnp.float32) * (1.0 / np.sqrt(2 * d)),
            'b2': jnp.zeros((d,), dtype=jnp.float32),
            'eps': jnp.zeros((), dtype=jnp.float32),
        })
    return params


def setup_inputs(seed: int = 0) -> dict:
    key = jax.random.key(seed)
    k_x, k_e, k_p = jax.random.split(key, 3)
    x = jax.random.normal(k_x, (N_NODES, EMB_DIM), dtype=jnp.float32)
    edge_index = jax.random.randint(k_e, (2, N_EDGES), 0, N_NODES, dtype=jnp.int64 if jax.config.jax_enable_x64 else jnp.int32).astype(jnp.int32)
    params = _make_params(k_p)
    return {'x': x, 'edge_index': edge_index, 'params': params}


def _gin_conv(x, edge_index, p):
    # GINConv: out = MLP((1 + eps) * x + sum_{j in N(i)} x_j)
    src = edge_index[0]
    dst = edge_index[1]
    msgs = jnp.take(x, src, axis=0)
    agg = jax.ops.segment_sum(msgs, dst, num_segments=x.shape[0])
    h = (1.0 + p['eps']) * x + agg
    # MLP: Linear(d, 2d) -> BatchNorm1d(2d) (eval: running mean 0, var 1) -> ReLU -> Linear(2d, d)
    h = h @ p['W1'].T + p['b1']
    h = h / jnp.sqrt(1.0 + BN_EPS)
    h = jnp.maximum(h, 0.0)
    h = h @ p['W2'].T + p['b2']
    return h


def reference(x, edge_index, params):
    # eval mode: outer BatchNorm1d uses running stats (mean 0, var 1, gamma 1, beta 0)
    # -> identity up to 1/sqrt(1+eps); dropout disabled. return_embeds=True -> no log_softmax.
    h = x
    for i in range(NUM_LAYERS - 1):
        h = _gin_conv(h, edge_index, params[i])
        h = h / jnp.sqrt(1.0 + BN_EPS)
        h = jnp.maximum(h, 0.0)
    out = _gin_conv(h, edge_index, params[NUM_LAYERS - 1])
    return out

if __name__ == "__main__":
    import jax
    _d = setup_inputs()
    print(jax.jit(kernel)(*tuple(_d.values())))

</pallas_src>

<mosaic_0001>
#map = affine_map<(d0, d1) -> (0, 0)>
#map1 = affine_map<(d0, d1) -> (0)>
#map2 = affine_map<(d0, d1) -> (0, 0, 0)>
module attributes {stable_mosaic.version = 14 : i64} {
  func.func @_agg_body(%arg0: i32, %arg1: i32, %arg2: memref<10000x128xf32, #tpu.memory_space<hbm>>, %arg3: memref<322560xi32, #tpu.memory_space<hbm>>, %arg4: memref<322560xi32, #tpu.memory_space<hbm>>, %arg5: memref<2x10000x128xf32, #tpu.memory_space<hbm>>, %arg6: memref<10112x128xf32, #tpu.memory_space<vmem_shared>>, %arg7: memref<10080xi32, #tpu.memory_space<vmem>>, %arg8: memref<96xi32, #tpu.memory_space<vmem>>, %arg9: memref<96xi32, #tpu.memory_space<vmem>>, %arg10: memref<96xi32, #tpu.memory_space<vmem>>, %arg11: memref<96x128xf32, #tpu.memory_space<vmem>>, %arg12: memref<96x128xf32, #tpu.memory_space<vmem>>, %arg13: memref<96x128xf32, #tpu.memory_space<vmem>>, %arg14: memref<!tpu.dma_semaphore, #tpu.memory_space<semaphore_mem>>, %arg15: memref<!tpu.dma_semaphore, #tpu.memory_space<semaphore_mem>>, %arg16: memref<!tpu.dma_semaphore, #tpu.memory_space<semaphore_mem>>, %arg17: memref<!tpu.dma_semaphore, #tpu.memory_space<semaphore_mem>>, %arg18: memref<!tpu.dma_semaphore, #tpu.memory_space<semaphore_mem>>, %arg19: memref<!tpu.dma_semaphore, #tpu.memory_space<semaphore_mem>>, %arg20: memref<!tpu.dma_semaphore, #tpu.memory_space<semaphore_mem>>) attributes {dimension_semantics = [#tpu.dimension_semantics<core_parallel>, #tpu.dimension_semantics<subcore_parallel>], iteration_bounds = array<i64: 2, 16>, scalar_prefetch = 0 : i64, scratch_operands = 15 : i64, tpu.core_type = #tpu.core_type<sc_vector_subcore>, window_params = [{transform_indices = #map}, {transform_indices = #map1}, {transform_indices = #map1}, {transform_indices = #map2}]} {
    %mul3A = arith.constant 2 : i32
    %mul3A_0 = arith.muli %arg1, %mul3A : i32
    %add3A = arith.addi %mul3A_0, %arg0 : i32
    %mul3A_1 = arith.constant 10080 : i32
    %mul3A_2 = arith.muli %add3A, %mul3A_1 : i32
    %dma_start3A = tpu.memref_slice %arg3[%mul3A_2] : memref<322560xi32, #tpu.memory_space<hbm>> -> memref<10080xi32, #tpu.memory_space<hbm>>
    %dma_start3A_3 = tpu.memref_slice %arg3[%mul3A_2] : memref<322560xi32, #tpu.memory_space<hbm>> -> memref<10080xi32, #tpu.memory_space<hbm>>
    tpu.enqueue_dma source(%dma_start3A_3 : memref<10080xi32, #tpu.memory_space<hbm>>) target(%arg7 : memref<10080xi32, #tpu.memory_space<vmem>>) target_semaphore(%arg14 : memref<!tpu.dma_semaphore, #tpu.memory_space<semaphore_mem>>)
    %scan3A = arith.constant 0 : i32
    %scan3A_4 = arith.constant 0 : i32
    %scan3A_5 = arith.constant 768 : i32
    %scan3A_6 = arith.addi %scan3A_4, %scan3A_5 : i32
    %scan3A_7 = arith.constant 1 : i32
    scf.for %scan3A_227 = %scan3A_4 to %scan3A_6 step %scan3A_7  : i32 {
      %jit3A = arith.constant 8 : i32
      %div3A = arith.divsi %scan3A_227, %jit3A : i32
      %sign3A = arith.constant 0 : i32
      %sign3A_228 = arith.cmpi sgt, %scan3A_227, %sign3A : i32
      %sign3A_229 = arith.extui %sign3A_228 : i1 to i32
      %sign3A_230 = arith.constant 0 : i32
      %sign3A_231 = arith.cmpi slt, %scan3A_227, %sign3A_230 : i32
      %sign3A_232 = arith.extui %sign3A_231 : i1 to i32
      %sign3A_233 = arith.subi %sign3A_229, %sign3A_232 : i32
      %sign3A_234 = arith.constant 0 : i32
      %sign3A_235 = arith.cmpi sgt, %jit3A, %sign3A_234 : i32
      %sign3A_236 = arith.extui %sign3A_235 : i1 to i32
      %sign3A_237 = arith.constant 0 : i32
      %sign3A_238 = arith.cmpi slt, %jit3A, %sign3A_237 : i32
      %sign3A_239 = arith.extui %sign3A_238 : i1 to i32
      %sign3A_240 = arith.subi %sign3A_236, %sign3A_239 : i32
      %ne3A = arith.cmpi ne, %sign3A_233, %sign3A_240 : i32
      %rem3A = arith.remsi %scan3A_227, %jit3A : i32
      %ne3A_241 = arith.constant 0 : i32
      %ne3A_242 = arith.cmpi ne, %rem3A, %ne3A_241 : i32
      %and3A = arith.andi %ne3A, %ne3A_242 : i1
      %sub3A = arith.constant 1 : i32
      %sub3A_243 = arith.subi %div3A, %sub3A : i32
      %select_n3A = arith.select %and3A, %sub3A_243, %div3A : i32
      %jit3A_244 = arith.constant 8 : i32
      %eq3A_245 = arith.constant 0 : i32
      %eq3A_246 = arith.cmpi eq, %jit3A_244, %eq3A_245 : i32
      %jit3A_247 = arith.constant 1 : i32
      %select_n3A_248 = arith.select %eq3A_246, %jit3A_247, %jit3A_244 : i32
      %rem3A_249 = arith.remsi %scan3A_227, %select_n3A_248 : i32
      %ne3A_250 = arith.constant 0 : i32
      %ne3A_251 = arith.cmpi ne, %rem3A_249, %ne3A_250 : i32
      %lt3A_252 = arith.constant 0 : i32
      %lt3A_253 = arith.cmpi slt, %rem3A_249, %lt3A_252 : i32
      %lt3A_254 = arith.constant 0 : i32
      %lt3A_255 = arith.cmpi slt, %select_n3A_248, %lt3A_254 : i32
      %ne3A_256 = arith.xori %lt3A_253, %lt3A_255 : i1
      %and3A_257 = arith.andi %ne3A_256, %ne3A_251 : i1
      %add3A_258 = arith.addi %rem3A_249, %select_n3A_248 : i32
      %select_n3A_259 = arith.select %and3A_257, %add3A_258, %rem3A_249 : i32
      %mul3A_260 = arith.constant 16 : i32
      %mul3A_261 = arith.muli %select_n3A_259, %mul3A_260 : i32
      %broadcast_in_dim3A = arith.constant 0.000000e+00 : f32
      %broadcast_in_dim3A_262 = vector.broadcast %broadcast_in_dim3A : f32 to vector<16xf32>
      %swap3A = arith.index_cast %select_n3A : i32 to index
      %swap3A_263 = arith.index_cast %mul3A_261 : i32 to index
      %swap3A_264 = tpu.vector_load %arg11[%swap3A, %swap3A_263] {strides = array<i32>} : memref<96x128xf32, #tpu.memory_space<vmem>>, vector<1x16xf32>,
      %swap3A_265 = vector.shape_cast %swap3A_264 : vector<1x16xf32> to vector<16xf32>
      %swap3A_266 = vector.shape_cast %broadcast_in_dim3A_262 : vector<16xf32> to vector<1x16xf32>
      tpu.vector_store %arg11[%swap3A, %swap3A_263], %swap3A_266 {strides = array<i32>} : memref<96x128xf32, #tpu.memory_space<vmem>>, vector<1x16xf32>,
    }
    %scan3A_8 = arith.constant 768 : i32
    %mul3A_9 = arith.constant 632 : i32
    %mul3A_10 = arith.muli %arg1, %mul3A_9 : i32
    %add3A_11 = arith.constant 0 : i32
    %add3A_12 = arith.addi %mul3A_10, %add3A_11 : i32
    %dma_start3A_13 = arith.constant 0 : i32
    %dma_start3A_14 = tpu.memref_slice %arg6[%add3A_12, %dma_start3A_13] : memref<10112x128xf32, #tpu.memory_space<vmem_shared>> -> memref<96x128xf32, #tpu.memory_space<vmem_shared>>
    %dma_start3A_15 = arith.constant 0 : i32
    %dma_start3A_16 = tpu.memref_slice %arg6[%add3A_12, %dma_start3A_15] : memref<10112x128xf32, #tpu.memory_space<vmem_shared>> -> memref<96x128xf32, #tpu.memory_space<vmem_shared>>
    tpu.enqueue_dma source(%arg11 : memref<96x128xf32, #tpu.memory_space<vmem>>) target(%dma_start3A_16 : memref<96x128xf32, #tpu.memory_space<vmem_shared>>) target_semaphore(%arg18 : memref<!tpu.dma_semaphore, #tpu.memory_space<semaphore_mem>>)
    %mul3A_17 = arith.constant 632 : i32
    %mul3A_18 = arith.muli %arg1, %mul3A_17 : i32
    %add3A_19 = arith.constant 96 : i32
    %add3A_20 = arith.addi %mul3A_18, %add3A_19 : i32
    %dma_start3A_21 = arith.constant 0 : i32
    %dma_start3A_22 = tpu.memref_slice %arg6[%add3A_20, %dma_start3A_21] : memref<10112x128xf32, #tpu.memory_space<vmem_shared>> -> memref<96x128xf32, #tpu.memory_space<vmem_shared>>
    %dma_start3A_23 = arith.constant 0 : i32
    %dma_start3A_24 = tpu.memref_slice %arg6[%add3A_20, %dma_start3A_23] : memref<10112x128xf32, #tpu.memory_space<vmem_shared>> -> memref<96x128xf32, #tpu.memory_space<vmem_shared>>
    tpu.enqueue_dma source(%arg11 : memref<96x128xf32, #tpu.memory_space<vmem>>) target(%dma_start3A_24 : memref<96x128xf32, #tpu.memory_space<vmem_shared>>) target_semaphore(%arg19 : memref<!tpu.dma_semaphore, #tpu.memory_space<semaphore_mem>>)
    %mul3A_25 = arith.constant 632 : i32
    %mul3A_26 = arith.muli %arg1, %mul3A_25 : i32
    %add3A_27 = arith.constant 192 : i32
    %add3A_28 = arith.addi %mul3A_26, %add3A_27 : i32
    %dma_start3A_29 = arith.constant 0 : i32
    %dma_start3A_30 = tpu.memref_slice %arg6[%add3A_28, %dma_start3A_29] : memref<10112x128xf32, #tpu.memory_space<vmem_shared>> -> memref<96x128xf32, #tpu.memory_space<vmem_shared>>
    %dma_start3A_31 = arith.constant 0 : i32
    %dma_start3A_32 = tpu.memref_slice %arg6[%add3A_28, %dma_start3A_31] : memref<10112x128xf32, #tpu.memory_space<vmem_shared>> -> memref<96x128xf32, #tpu.memory_space<vmem_shared>>
    tpu.enqueue_dma source(%arg11 : memref<96x128xf32, #tpu.memory_space<vmem>>) target(%dma_start3A_32 : memref<96x128xf32, #tpu.memory_space<vmem_shared>>) target_semaphore(%arg20 : memref<!tpu.dma_semaphore, #tpu.memory_space<semaphore_mem>>)
    %mul3A_33 = arith.constant 632 : i32
    %mul3A_34 = arith.muli %arg1, %mul3A_33 : i32
    %add3A_35 = arith.constant 288 : i32
    %add3A_36 = arith.addi %mul3A_34, %add3A_35 : i32
    %dma_start3A_37 = arith.constant 0 : i32
    %dma_start3A_38 = tpu.memref_slice %arg6[%add3A_36, %dma_start3A_37] : memref<10112x128xf32, #tpu.memory_space<vmem_shared>> -> memref<96x128xf32, #tpu.memory_space<vmem_shared>>
    %dma_start3A_39 = arith.constant 0 : i32
    %dma_start3A_40 = tpu.memref_slice %arg6[%add3A_36, %dma_start3A_39] : memref<10112x128xf32, #tpu.memory_space<vmem_shared>> -> memref<96x128xf32, #tpu.memory_space<vmem_shared>>
    tpu.enqueue_dma source(%arg11 : memref<96x128xf32, #tpu.memory_space<vmem>>) target(%dma_start3A_40 : memref<96x128xf32, #tpu.memory_space<vmem_shared>>) target_semaphore(%arg18 : memref<!tpu.dma_semaphore, #tpu.memory_space<semaphore_mem>>)
    %mul3A_41 = arith.constant 632 : i32
    %mul3A_42 = arith.muli %arg1, %mul3A_41 : i32
    %add3A_43 = arith.constant 384 : i32
    %add3A_44 = arith.addi %mul3A_42, %add3A_43 : i32
    %dma_start3A_45 = arith.constant 0 : i32
    %dma_start3A_46 = tpu.memref_slice %arg6[%add3A_44, %dma_start3A_45] : memref<10112x128xf32, #tpu.memory_space<vmem_shared>> -> memref<96x128xf32, #tpu.memory_space<vmem_shared>>
    %dma_start3A_47 = arith.constant 0 : i32
    %dma_start3A_48 = tpu.memref_slice %arg6[%add3A_44, %dma_start3A_47] : memref<10112x128xf32, #tpu.memory_space<vmem_shared>> -> memref<96x128xf32, #tpu.memory_space<vmem_shared>>
    tpu.enqueue_dma source(%arg11 : memref<96x128xf32, #tpu.memory_space<vmem>>) target(%dma_start3A_48 : memref<96x128xf32, #tpu.memory_space<vmem_shared>>) target_semaphore(%arg19 : memref<!tpu.dma_semaphore, #tpu.memory_space<semaphore_mem>>)
    %mul3A_49 = arith.constant 632 : i32
    %mul3A_50 = arith.muli %arg1, %mul3A_49 : i32
    %add3A_51 = arith.constant 480 : i32
    %add3A_52 = arith.addi %mul3A_50, %add3A_51 : i32
    %dma_start3A_53 = arith.constant 0 : i32
    %dma_start3A_54 = tpu.memref_slice %arg6[%add3A_52, %dma_start3A_53] : memref<10112x128xf32, #tpu.memory_space<vmem_shared>> -> memref<96x128xf32, #tpu.memory_space<vmem_shared>>
    %dma_start3A_55 = arith.constant 0 : i32
    %dma_start3A_56 = tpu.memref_slice %arg6[%add3A_52, %dma_start3A_55] : memref<10112x128xf32, #tpu.memory_space<vmem_shared>> -> memref<96x128xf32, #tpu.memory_space<vmem_shared>>
    tpu.enqueue_dma source(%arg11 : memref<96x128xf32, #tpu.memory_space<vmem>>) target(%dma_start3A_56 : memref<96x128xf32, #tpu.memory_space<vmem_shared>>) target_semaphore(%arg20 : memref<!tpu.dma_semaphore, #tpu.memory_space<semaphore_mem>>)
    %mul3A_57 = arith.constant 632 : i32
    %mul3A_58 = arith.muli %arg1, %mul3A_57 : i32
    %add3A_59 = arith.constant 576 : i32
    %add3A_60 = arith.addi %mul3A_58, %add3A_59 : i32
    %dma_start3A_61 = arith.constant 0 : i32
    %dma_start3A_62 = arith.constant 0 : i32
    %dma_start3A_63 = tpu.memref_slice %arg11[%dma_start3A_61, %dma_start3A_62] : memref<96x128xf32, #tpu.memory_space<vmem>> -> memref<56x128xf32, #tpu.memory_space<vmem>>
    %dma_start3A_64 = arith.constant 0 : i32
    %dma_start3A_65 = tpu.memref_slice %arg6[%add3A_60, %dma_start3A_64] : memref<10112x128xf32, #tpu.memory_space<vmem_shared>> -> memref<56x128xf32, #tpu.memory_space<vmem_shared>>
    %dma_start3A_66 = arith.constant 0 : i32
    %dma_start3A_67 = tpu.memref_slice %arg6[%add3A_60, %dma_start3A_66] : memref<10112x128xf32, #tpu.memory_space<vmem_shared>> -> memref<56x128xf32, #tpu.memory_space<vmem_shared>>
    %dma_start3A_68 = arith.constant 0 : i32
    %dma_start3A_69 = arith.constant 0 : i32
    %dma_start3A_70 = tpu.memref_slice %arg11[%dma_start3A_68, %dma_start3A_69] : memref<96x128xf32, #tpu.memory_space<vmem>> -> memref<56x128xf32, #tpu.memory_space<vmem>>
    tpu.enqueue_dma source(%dma_start3A_70 : memref<56x128xf32, #tpu.memory_space<vmem>>) target(%dma_start3A_67 : memref<56x128xf32, #tpu.memory_space<vmem_shared>>) target_semaphore(%arg18 : memref<!tpu.dma_semaphore, #tpu.memory_space<semaphore_mem>>)
    %dma_wait3A = tpu.memref_slice %arg3[%mul3A_2] : memref<322560xi32, #tpu.memory_space<hbm>> -> memref<10080xi32, #tpu.memory_space<hbm>>
    %dma_wait3A_71 = tpu.memref_slice %arg3[%mul3A_2] : memref<322560xi32, #tpu.memory_space<hbm>> -> memref<10080xi32, #tpu.memory_space<hbm>>
    tpu.wait_dma2 semaphore(%arg14 : memref<!tpu.dma_semaphore, #tpu.memory_space<semaphore_mem>>) src(%dma_wait3A_71 : memref<10080xi32, #tpu.memory_space<hbm>>) dst(%arg7 : memref<10080xi32, #tpu.memory_space<vmem>>)
    %add3A_72 = arith.constant 96 : i32
    %add3A_73 = arith.addi %mul3A_2, %add3A_72 : i32
    %dma_start3A_74 = tpu.memref_slice %arg4[%add3A_73] : memref<322560xi32, #tpu.memory_space<hbm>> -> memref<96xi32, #tpu.memory_space<hbm>>
    %dma_start3A_75 = tpu.memref_slice %arg4[%add3A_73] : memref<322560xi32, #tpu.memory_space<hbm>> -> memref<96xi32, #tpu.memory_space<hbm>>
    tpu.enqueue_dma source(%dma_start3A_75 : memref<96xi32, #tpu.memory_space<hbm>>) target(%arg9 : memref<96xi32, #tpu.memory_space<vmem>>) target_semaphore(%arg16 : memref<!tpu.dma_semaphore, #tpu.memory_space<semaphore_mem>>)
    %multiple_of3A = arith.constant 96 : i32
    %multiple_of3A_76 = tpu.assume_multiple %multiple_of3A, 8 : i32
    %dma_start3A_77 = tpu.memref_slice %arg7[%multiple_of3A_76] : memref<10080xi32, #tpu.memory_space<vmem>> -> memref<96xi32, #tpu.memory_space<vmem>>
    %dma_start3A_78 = arith.constant 0 : i32
    %dma_start3A_79 = arith.constant 0 : i32
    %dma_start3A_80 = tpu.memref_slice %arg2[%dma_start3A_78, %dma_start3A_79] : memref<10000x128xf32, #tpu.memory_space<hbm>> -> memref<10000x128xf32, #tpu.memory_space<hbm>>
    tpu.enqueue_indirect_dma source(%dma_start3A_80 : memref<10000x128xf32, #tpu.memory_space<hbm>>) target(%arg12 : memref<96x128xf32, #tpu.memory_space<vmem>>) offsets(%dma_start3A_77 : memref<96xi32, #tpu.memory_space<vmem>>) semaphore(%arg16 : memref<!tpu.dma_semaphore, #tpu.memory_space<semaphore_mem>>)
    %add3A_81 = arith.constant 192 : i32
    %add3A_82 = arith.addi %mul3A_2, %add3A_81 : i32
    %dma_start3A_83 = tpu.memref_slice %arg4[%add3A_82] : memref<322560xi32, #tpu.memory_space<hbm>> -> memref<96xi32, #tpu.memory_space<hbm>>
    %dma_start3A_84 = tpu.memref_slice %arg4[%add3A_82] : memref<322560xi32, #tpu.memory_space<hbm>> -> memref<96xi32, #tpu.memory_space<hbm>>
    tpu.enqueue_dma source(%dma_start3A_84 : memref<96xi32, #tpu.memory_space<hbm>>) target(%arg10 : memref<96xi32, #tpu.memory_space<vmem>>) target_semaphore(%arg17 : memref<!tpu.dma_semaphore, #tpu.memory_space<semaphore_mem>>)
    %multiple_of3A_85 = arith.constant 192 : i32
    %multiple_of3A_86 = tpu.assume_multiple %multiple_of3A_85, 8 : i32
    %dma_start3A_87 = tpu.memref_slice %arg7[%multiple_of3A_86] : memref<10080xi32, #tpu.memory_space<vmem>> -> memref<96xi32, #tpu.memory_space<vmem>>
    %dma_start3A_88 = arith.constant 0 : i32
    %dma_start3A_89 = arith.constant 0 : i32
    %dma_start3A_90 = tpu.memref_slice %arg2[%dma_start3A_88, %dma_start3A_89] : memref<10000x128xf32, #tpu.memory_space<hbm>> -> memref<10000x128xf32, #tpu.memory_space<hbm>>
    tpu.enqueue_indirect_dma source(%dma_start3A_90 : memref<10000x128xf32, #tpu.memory_space<hbm>>) target(%arg13 : memref<96x128xf32, #tpu.memory_space<vmem>>) offsets(%dma_start3A_87 : memref<96xi32, #tpu.memory_space<vmem>>) semaphore(%arg17 : memref<!tpu.dma_semaphore, #tpu.memory_space<semaphore_mem>>)
    %mul3A_91 = arith.constant 632 : i32
    %mul3A_92 = arith.muli %arg1, %mul3A_91 : i32
    %add3A_93 = arith.constant 0 : i32
    %add3A_94 = arith.addi %mul3A_92, %add3A_93 : i32
    %dma_wait3A_95 = arith.constant 0 : i32
    %dma_wait3A_96 = tpu.memref_slice %arg6[%add3A_94, %dma_wait3A_95] : memref<10112x128xf32, #tpu.memory_space<vmem_shared>> -> memref<96x128xf32, #tpu.memory_space<vmem_shared>>
    %dma_wait3A_97 = arith.constant 0 : i32
    %dma_wait3A_98 = tpu.memref_slice %arg6[%add3A_94, %dma_wait3A_97] : memref<10112x128xf32, #tpu.memory_space<vmem_shared>> -> memref<96x128xf32, #tpu.memory_space<vmem_shared>>
    tpu.wait_dma2 semaphore(%arg18 : memref<!tpu.dma_semaphore, #tpu.memory_space<semaphore_mem>>) src(%arg11 : memref<96x128xf32, #tpu.memory_space<vmem>>) dst(%dma_wait3A_98 : memref<96x128xf32, #tpu.memory_space<vmem_shared>>)
    %mul3A_99 = arith.constant 632 : i32
    %mul3A_100 = arith.muli %arg1, %mul3A_99 : i32
    %add3A_101 = arith.constant 96 : i32
    %add3A_102 = arith.addi %mul3A_100, %add3A_101 : i32
    %dma_wait3A_103 = arith.constant 0 : i32
    %dma_wait3A_104 = tpu.memref_slice %arg6[%add3A_102, %dma_wait3A_103] : memref<10112x128xf32, #tpu.memory_space<vmem_shared>> -> memref<96x128xf32, #tpu.memory_space<vmem_shared>>
    %dma_wait3A_105 = arith.constant 0 : i32
    %dma_wait3A_106 = tpu.memref_slice %arg6[%add3A_102, %dma_wait3A_105] : memref<10112x128xf32, #tpu.memory_space<vmem_shared>> -> memref<96x128xf32, #tpu.memory_space<vmem_shared>>
    tpu.wait_dma2 semaphore(%arg19 : memref<!tpu.dma_semaphore, #tpu.memory_space<semaphore_mem>>) src(%arg11 : memref<96x128xf32, #tpu.memory_space<vmem>>) dst(%dma_wait3A_106 : memref<96x128xf32, #tpu.memory_space<vmem_shared>>)
    %mul3A_107 = arith.constant 632 : i32
    %mul3A_108 = arith.muli %arg1, %mul3A_107 : i32
    %add3A_109 = arith.constant 192 : i32
    %add3A_110 = arith.addi %mul3A_108, %add3A_109 : i32
    %dma_wait3A_111 = arith.constant 0 : i32
    %dma_wait3A_112 = tpu.memref_slice %arg6[%add3A_110, %dma_wait3A_111] : memref<10112x128xf32, #tpu.memory_space<vmem_shared>> -> memref<96x128xf32, #tpu.memory_space<vmem_shared>>
    %dma_wait3A_113 = arith.constant 0 : i32
    %dma_wait3A_114 = tpu.memref_slice %arg6[%add3A_110, %dma_wait3A_113] : memref<10112x128xf32, #tpu.memory_space<vmem_shared>> -> memref<96x128xf32, #tpu.memory_space<vmem_shared>>
    tpu.wait_dma2 semaphore(%arg20 : memref<!tpu.dma_semaphore, #tpu.memory_space<semaphore_mem>>) src(%arg11 : memref<96x128xf32, #tpu.memory_space<vmem>>) dst(%dma_wait3A_114 : memref<96x128xf32, #tpu.memory_space<vmem_shared>>)
    %mul3A_115 = arith.constant 632 : i32
    %mul3A_116 = arith.muli %arg1, %mul3A_115 : i32
    %add3A_117 = arith.constant 288 : i32
    %add3A_118 = arith.addi %mul3A_116, %add3A_117 : i32
    %dma_wait3A_119 = arith.constant 0 : i32
    %dma_wait3A_120 = tpu.memref_slice %arg6[%add3A_118, %dma_wait3A_119] : memref<10112x128xf32, #tpu.memory_space<vmem_shared>> -> memref<96x128xf32, #tpu.memory_space<vmem_shared>>
    %dma_wait3A_121 = arith.constant 0 : i32
    %dma_wait3A_122 = tpu.memref_slice %arg6[%add3A_118, %dma_wait3A_121] : memref<10112x128xf32, #tpu.memory_space<vmem_shared>> -> memref<96x128xf32, #tpu.memory_space<vmem_shared>>
    tpu.wait_dma2 semaphore(%arg18 : memref<!tpu.dma_semaphore, #tpu.memory_space<semaphore_mem>>) src(%arg11 : memref<96x128xf32, #tpu.memory_space<vmem>>) dst(%dma_wait3A_122 : memref<96x128xf32, #tpu.memory_space<vmem_shared>>)
    %mul3A_123 = arith.constant 632 : i32
    %mul3A_124 = arith.muli %arg1, %mul3A_123 : i32
    %add3A_125 = arith.constant 384 : i32
    %add3A_126 = arith.addi %mul3A_124, %add3A_125 : i32
    %dma_wait3A_127 = arith.constant 0 : i32
    %dma_wait3A_128 = tpu.memref_slice %arg6[%add3A_126, %dma_wait3A_127] : memref<10112x128xf32, #tpu.memory_space<vmem_shared>> -> memref<96x128xf32, #tpu.memory_space<vmem_shared>>
    %dma_wait3A_129 = arith.constant 0 : i32
    %dma_wait3A_130 = tpu.memref_slice %arg6[%add3A_126, %dma_wait3A_129] : memref<10112x128xf32, #tpu.memory_space<vmem_shared>> -> memref<96x128xf32, #tpu.memory_space<vmem_shared>>
    tpu.wait_dma2 semaphore(%arg19 : memref<!tpu.dma_semaphore, #tpu.memory_space<semaphore_mem>>) src(%arg11 : memref<96x128xf32, #tpu.memory_space<vmem>>) dst(%dma_wait3A_130 : memref<96x128xf32, #tpu.memory_space<vmem_shared>>)
    %mul3A_131 = arith.constant 632 : i32
    %mul3A_132 = arith.muli %arg1, %mul3A_131 : i32
    %add3A_133 = arith.constant 480 : i32
    %add3A_134 = arith.addi %mul3A_132, %add3A_133 : i32
    %dma_wait3A_135 = arith.constant 0 : i32
    %dma_wait3A_136 = tpu.memref_slice %arg6[%add3A_134, %dma_wait3A_135] : memref<10112x128xf32, #tpu.memory_space<vmem_shared>> -> memref<96x128xf32, #tpu.memory_space<vmem_shared>>
    %dma_wait3A_137 = arith.constant 0 : i32
    %dma_wait3A_138 = tpu.memref_slice %arg6[%add3A_134, %dma_wait3A_137] : memref<10112x128xf32, #tpu.memory_space<vmem_shared>> -> memref<96x128xf32, #tpu.memory_space<vmem_shared>>
    tpu.wait_dma2 semaphore(%arg20 : memref<!tpu.dma_semaphore, #tpu.memory_space<semaphore_mem>>) src(%arg11 : memref<96x128xf32, #tpu.memory_space<vmem>>) dst(%dma_wait3A_138 : memref<96x128xf32, #tpu.memory_space<vmem_shared>>)
    %mul3A_139 = arith.constant 632 : i32
    %mul3A_140 = arith.muli %arg1, %mul3A_139 : i32
    %add3A_141 = arith.constant 576 : i32
    %add3A_142 = arith.addi %mul3A_140, %add3A_141 : i32
    %dma_wait3A_143 = arith.constant 0 : i32
    %dma_wait3A_144 = arith.constant 0 : i32
    %dma_wait3A_145 = tpu.memref_slice %arg11[%dma_wait3A_143, %dma_wait3A_144] : memref<96x128xf32, #tpu.memory_space<vmem>> -> memref<56x128xf32, #tpu.memory_space<vmem>>
    %dma_wait3A_146 = arith.constant 0 : i32
    %dma_wait3A_147 = tpu.memref_slice %arg6[%add3A_142, %dma_wait3A_146] : memref<10112x128xf32, #tpu.memory_space<vmem_shared>> -> memref<56x128xf32, #tpu.memory_space<vmem_shared>>
    %dma_wait3A_148 = arith.constant 0 : i32
    %dma_wait3A_149 = tpu.memref_slice %arg6[%add3A_142, %dma_wait3A_148] : memref<10112x128xf32, #tpu.memory_space<vmem_shared>> -> memref<56x128xf32, #tpu.memory_space<vmem_shared>>
    %dma_wait3A_150 = arith.constant 0 : i32
    %dma_wait3A_151 = arith.constant 0 : i32
    %dma_wait3A_152 = tpu.memref_slice %arg11[%dma_wait3A_150, %dma_wait3A_151] : memref<96x128xf32, #tpu.memory_space<vmem>> -> memref<56x128xf32, #tpu.memory_space<vmem>>
    tpu.wait_dma2 semaphore(%arg18 : memref<!tpu.dma_semaphore, #tpu.memory_space<semaphore_mem>>) src(%dma_wait3A_152 : memref<56x128xf32, #tpu.memory_space<vmem>>) dst(%dma_wait3A_149 : memref<56x128xf32, #tpu.memory_space<vmem_shared>>)
    %add3A_153 = arith.constant 0 : i32
    %add3A_154 = arith.addi %mul3A_2, %add3A_153 : i32
    %dma_start3A_155 = tpu.memref_slice %arg4[%add3A_154] : memref<322560xi32, #tpu.memory_space<hbm>> -> memref<96xi32, #tpu.memory_space<hbm>>
    %dma_start3A_156 = tpu.memref_slice %arg4[%add3A_154] : memref<322560xi32, #tpu.memory_space<hbm>> -> memref<96xi32, #tpu.memory_space<hbm>>
    tpu.enqueue_dma source(%dma_start3A_156 : memref<96xi32, #tpu.memory_space<hbm>>) target(%arg8 : memref<96xi32, #tpu.memory_space<vmem>>) target_semaphore(%arg15 : memref<!tpu.dma_semaphore, #tpu.memory_space<semaphore_mem>>)
    %multiple_of3A_157 = arith.constant 0 : i32
    %multiple_of3A_158 = tpu.assume_multiple %multiple_of3A_157, 8 : i32
    %dma_start3A_159 = tpu.memref_slice %arg7[%multiple_of3A_158] : memref<10080xi32, #tpu.memory_space<vmem>> -> memref<96xi32, #tpu.memory_space<vmem>>
    %dma_start3A_160 = arith.constant 0 : i32
    %dma_start3A_161 = arith.constant 0 : i32
    %dma_start3A_162 = tpu.memref_slice %arg2[%dma_start3A_160, %dma_start3A_161] : memref<10000x128xf32, #tpu.memory_space<hbm>> -> memref<10000x128xf32, #tpu.memory_space<hbm>>
    tpu.enqueue_indirect_dma source(%dma_start3A_162 : memref<10000x128xf32, #tpu.memory_space<hbm>>) target(%arg11 : memref<96x128xf32, #tpu.memory_space<vmem>>) offsets(%dma_start3A_159 : memref<96xi32, #tpu.memory_space<vmem>>) semaphore(%arg15 : memref<!tpu.dma_semaphore, #tpu.memory_space<semaphore_mem>>)
    %barrier3A = arith.constant 0 : index
    tpu.barrier barrier_id(%barrier3A)
    %scan3A_163 = arith.constant 0 : i32
    %scan3A_164 = arith.constant 0 : i32
    %scan3A_165 = arith.constant 34 : i32
    %scan3A_166 = arith.addi %scan3A_164, %scan3A_165 : i32
    %scan3A_167 = arith.constant 1 : i32
    scf.for %scan3A_227 = %scan3A_164 to %scan3A_166 step %scan3A_167  : i32 {
      %mul3A_228 = arith.constant 3 : i32
      %mul3A_229 = arith.muli %mul3A_228, %scan3A_227 : i32
      %dma_wait3A_230 = arith.constant 0 : i32
      %dma_wait3A_231 = tpu.memref_slice %arg7[%dma_wait3A_230] : memref<10080xi32, #tpu.memory_space<vmem>> -> memref<96xi32, #tpu.memory_space<vmem>>
      %dma_wait3A_232 = arith.constant 0 : i32
      %dma_wait3A_233 = arith.constant 0 : i32
      %dma_wait3A_234 = tpu.memref_slice %arg2[%dma_wait3A_232, %dma_wait3A_233] : memref<10000x128xf32, #tpu.memory_space<hbm>> -> memref<10000x128xf32, #tpu.memory_space<hbm>>
      tpu.wait_indirect_dma semaphore(%arg15 : memref<!tpu.dma_semaphore, #tpu.memory_space<semaphore_mem>>) src(%dma_wait3A_234 : memref<10000x128xf32, #tpu.memory_space<hbm>>) dst(%arg11 : memref<96x128xf32, #tpu.memory_space<vmem>>)
      %dma_wait3A_235 = arith.constant 0 : i32
      %dma_wait3A_236 = tpu.memref_slice %arg4[%dma_wait3A_235] : memref<322560xi32, #tpu.memory_space<hbm>> -> memref<96xi32, #tpu.memory_space<hbm>>
      %dma_wait3A_237 = arith.constant 0 : i32
      %dma_wait3A_238 = tpu.memref_slice %arg4[%dma_wait3A_237] : memref<322560xi32, #tpu.memory_space<hbm>> -> memref<96xi32, #tpu.memory_space<hbm>>
      tpu.wait_dma2 semaphore(%arg15 : memref<!tpu.dma_semaphore, #tpu.memory_space<semaphore_mem>>) src(%dma_wait3A_238 : memref<96xi32, #tpu.memory_space<hbm>>) dst(%arg8 : memref<96xi32, #tpu.memory_space<vmem>>)
      %dma_start3A_239 = arith.constant 0 : i32
      %dma_start3A_240 = arith.constant 0 : i32
      %dma_start3A_241 = tpu.memref_slice %arg6[%dma_start3A_239, %dma_start3A_240] : memref<10112x128xf32, #tpu.memory_space<vmem_shared>> -> memref<10112x128xf32, #tpu.memory_space<vmem_shared>>
      tpu.enqueue_indirect_dma source(%arg11 : memref<96x128xf32, #tpu.memory_space<vmem>>) target(%dma_start3A_241 : memref<10112x128xf32, #tpu.memory_space<vmem_shared>>) offsets(%arg8 : memref<96xi32, #tpu.memory_space<vmem>>) semaphore(%arg18 : memref<!tpu.dma_semaphore, #tpu.memory_space<semaphore_mem>>) {add = true}
      %dma_wait3A_242 = arith.constant 0 : i32
      %dma_wait3A_243 = tpu.memref_slice %arg7[%dma_wait3A_242] : memref<10080xi32, #tpu.memory_space<vmem>> -> memref<96xi32, #tpu.memory_space<vmem>>
      %dma_wait3A_244 = arith.constant 0 : i32
      %dma_wait3A_245 = arith.constant 0 : i32
      %dma_wait3A_246 = tpu.memref_slice %arg2[%dma_wait3A_244, %dma_wait3A_245] : memref<10000x128xf32, #tpu.memory_space<hbm>> -> memref<10000x128xf32, #tpu.memory_space<hbm>>
      tpu.wait_indirect_dma semaphore(%arg16 : memref<!tpu.dma_semaphore, #tpu.memory_space<semaphore_mem>>) src(%dma_wait3A_246 : memref<10000x128xf32, #tpu.memory_space<hbm>>) dst(%arg12 : memref<96x128xf32, #tpu.memory_space<vmem>>)
      %dma_wait3A_247 = arith.constant 0 : i32
      %dma_wait3A_248 = tpu.memref_slice %arg4[%dma_wait3A_247] : memref<322560xi32, #tpu.memory_space<hbm>> -> memref<96xi32, #tpu.memory_space<hbm>>
      %dma_wait3A_249 = arith.constant 0 : i32
      %dma_wait3A_250 = tpu.memref_slice %arg4[%dma_wait3A_249] : memref<322560xi32, #tpu.memory_space<hbm>> -> memref<96xi32, #tpu.memory_space<hbm>>
      tpu.wait_dma2 semaphore(%arg16 : memref<!tpu.dma_semaphore, #tpu.memory_space<semaphore_mem>>) src(%dma_wait3A_250 : memref<96xi32, #tpu.memory_space<hbm>>) dst(%arg9 : memref<96xi32, #tpu.memory_space<vmem>>)
      %dma_start3A_251 = arith.constant 0 : i32
      %dma_start3A_252 = arith.constant 0 : i32
      %dma_start3A_253 = tpu.memref_slice %arg6[%dma_start3A_251, %dma_start3A_252] : memref<10112x128xf32, #tpu.memory_space<vmem_shared>> -> memref<10112x128xf32, #tpu.memory_space<vmem_shared>>
      tpu.enqueue_indirect_dma source(%arg12 : memref<96x128xf32, #tpu.memory_space<vmem>>) target(%dma_start3A_253 : memref<10112x128xf32, #tpu.memory_space<vmem_shared>>) offsets(%arg9 : memref<96xi32, #tpu.memory_space<vmem>>) semaphore(%arg19 : memref<!tpu.dma_semaphore, #tpu.memory_space<semaphore_mem>>) {add = true}
      %dma_wait3A_254 = arith.constant 0 : i32
      %dma_wait3A_255 = tpu.memref_slice %arg7[%dma_wait3A_254] : memref<10080xi32, #tpu.memory_space<vmem>> -> memref<96xi32, #tpu.memory_space<vmem>>
      %dma_wait3A_256 = arith.constant 0 : i32
      %dma_wait3A_257 = arith.constant 0 : i32
      %dma_wait3A_258 = tpu.memref_slice %arg2[%dma_wait3A_256, %dma_wait3A_257] : memref<10000x128xf32, #tpu.memory_space<hbm>> -> memref<10000x128xf32, #tpu.memory_space<hbm>>
      tpu.wait_indirect_dma semaphore(%arg17 : memref<!tpu.dma_semaphore, #tpu.memory_space<semaphore_mem>>) src(%dma_wait3A_258 : memref<10000x128xf32, #tpu.memory_space<hbm>>) dst(%arg13 : memref<96x128xf32, #tpu.memory_space<vmem>>)
      %dma_wait3A_259 = arith.constant 0 : i32
      %dma_wait3A_260 = tpu.memref_slice %arg4[%dma_wait3A_259] : memref<322560xi32, #tpu.memory_space<hbm>> -> memref<96xi32, #tpu.memory_space<hbm>>
      %dma_wait3A_261 = arith.constant 0 : i32
      %dma_wait3A_262 = tpu.memref_slice %arg4[%dma_wait3A_261] : memref<322560xi32, #tpu.memory_space<hbm>> -> memref<96xi32, #tpu.memory_space<hbm>>
      tpu.wait_dma2 semaphore(%arg17 : memref<!tpu.dma_semaphore, #tpu.memory_space<semaphore_mem>>) src(%dma_wait3A_262 : memref<96xi32, #tpu.memory_space<hbm>>) dst(%arg10 : memref<96xi32, #tpu.memory_space<vmem>>)
      %dma_start3A_263 = arith.constant 0 : i32
      %dma_start3A_264 = arith.constant 0 : i32
      %dma_start3A_265 = tpu.memref_slice %arg6[%dma_start3A_263, %dma_start3A_264] : memref<10112x128xf32, #tpu.memory_space<vmem_shared>> -> memref<10112x128xf32, #tpu.memory_space<vmem_shared>>
      tpu.enqueue_indirect_dma source(%arg13 : memref<96x128xf32, #tpu.memory_space<vmem>>) target(%dma_start3A_265 : memref<10112x128xf32, #tpu.memory_space<vmem_shared>>) offsets(%arg10 : memref<96xi32, #tpu.memory_space<vmem>>) semaphore(%arg20 : memref<!tpu.dma_semaphore, #tpu.memory_space<semaphore_mem>>) {add = true}
      %dma_wait3A_266 = arith.constant 0 : i32
      %dma_wait3A_267 = tpu.memref_slice %arg7[%dma_wait3A_266] : memref<10080xi32, #tpu.memory_space<vmem>> -> memref<96xi32, #tpu.memory_space<vmem>>
      %dma_wait3A_268 = arith.constant 0 : i32
      %dma_wait3A_269 = arith.constant 0 : i32
      %dma_wait3A_270 = tpu.memref_slice %arg2[%dma_wait3A_268, %dma_wait3A_269] : memref<10000x128xf32, #tpu.memory_space<hbm>> -> memref<10000x128xf32, #tpu.memory_space<hbm>>
      tpu.wait_indirect_dma semaphore(%arg18 : memref<!tpu.dma_semaphore, #tpu.memory_space<semaphore_mem>>) src(%dma_wait3A_270 : memref<10000x128xf32, #tpu.memory_space<hbm>>) dst(%arg11 : memref<96x128xf32, #tpu.memory_space<vmem>>)
      %add3A_271 = arith.constant 3 : i32
      %add3A_272 = arith.addi %mul3A_229, %add3A_271 : i32
      %add3A_273 = arith.constant 0 : i32
      %add3A_274 = arith.addi %add3A_272, %add3A_273 : i32
      %mul3A_275 = arith.constant 96 : i32
      %mul3A_276 = arith.muli %add3A_274, %mul3A_275 : i32
      %add3A_277 = arith.addi %mul3A_2, %mul3A_276 : i32
      %dma_start3A_278 = tpu.memref_slice %arg4[%add3A_277] : memref<322560xi32, #tpu.memory_space<hbm>> -> memref<96xi32, #tpu.memory_space<hbm>>
      %dma_start3A_279 = tpu.memref_slice %arg4[%add3A_277] : memref<322560xi32, #tpu.memory_space<hbm>> -> memref<96xi32, #tpu.memory_space<hbm>>
      tpu.enqueue_dma source(%dma_start3A_279 : memref<96xi32, #tpu.memory_space<hbm>>) target(%arg8 : memref<96xi32, #tpu.memory_space<vmem>>) target_semaphore(%arg15 : memref<!tpu.dma_semaphore, #tpu.memory_space<semaphore_mem>>)
      %mul3A_280 = arith.constant 96 : i32
      %mul3A_281 = arith.muli %add3A_274, %mul3A_280 : i32
      %multiple_of3A_282 = tpu.assume_multiple %mul3A_281, 8 : i32
      %dma_start3A_283 = tpu.memref_slice %arg7[%multiple_of3A_282] : memref<10080xi32, #tpu.memory_space<vmem>> -> memref<96xi32, #tpu.memory_space<vmem>>
      %dma_start3A_284 = arith.constant 0 : i32
      %dma_start3A_285 = arith.constant 0 : i32
      %dma_start3A_286 = tpu.memref_slice %arg2[%dma_start3A_284, %dma_start3A_285] : memref<10000x128xf32, #tpu.memory_space<hbm>> -> memref<10000x128xf32, #tpu.memory_space<hbm>>
      tpu.enqueue_indirect_dma source(%dma_start3A_286 : memref<10000x128xf32, #tpu.memory_space<hbm>>) target(%arg11 : memref<96x128xf32, #tpu.memory_space<vmem>>) offsets(%dma_start3A_283 : memref<96xi32, #tpu.memory_space<vmem>>) semaphore(%arg15 : memref<!tpu.dma_semaphore, #tpu.memory_space<semaphore_mem>>)
      %dma_wait3A_287 = arith.constant 0 : i32
      %dma_wait3A_288 = tpu.memref_slice %arg7[%dma_wait3A_287] : memref<10080xi32, #tpu.memory_space<vmem>> -> memref<96xi32, #tpu.memory_space<vmem>>
      %dma_wait3A_289 = arith.constant 0 : i32
      %dma_wait3A_290 = arith.constant 0 : i32
      %dma_wait3A_291 = tpu.memref_slice %arg2[%dma_wait3A_289, %dma_wait3A_290] : memref<10000x128xf32, #tpu.memory_space<hbm>> -> memref<10000x128xf32, #tpu.memory_space<hbm>>
      tpu.wait_indirect_dma semaphore(%arg19 : memref<!tpu.dma_semaphore, #tpu.memory_space<semaphore_mem>>) src(%dma_wait3A_291 : memref<10000x128xf32, #tpu.memory_space<hbm>>) dst(%arg12 : memref<96x128xf32, #tpu.memory_space<vmem>>)
      %add3A_292 = arith.constant 3 : i32
      %add3A_293 = arith.addi %mul3A_229, %add3A_292 : i32
      %add3A_294 = arith.constant 1 : i32
      %add3A_295 = arith.addi %add3A_293, %add3A_294 : i32
      %mul3A_296 = arith.constant 96 : i32
      %mul3A_297 = arith.muli %add3A_295, %mul3A_296 : i32
      %add3A_298 = arith.addi %mul3A_2, %mul3A_297 : i32
      %dma_start3A_299 = tpu.memref_slice %arg4[%add3A_298] : memref<322560xi32, #tpu.memory_space<hbm>> -> memref<96xi32, #tpu.memory_space<hbm>>
      %dma_start3A_300 = tpu.memref_slice %arg4[%add3A_298] : memref<322560xi32, #tpu.memory_space<hbm>> -> memref<96xi32, #tpu.memory_space<hbm>>
      tpu.enqueue_dma source(%dma_start3A_300 : memref<96xi32, #tpu.memory_space<hbm>>) target(%arg9 : memref<96xi32, #tpu.memory_space<vmem>>) target_semaphore(%arg16 : memref<!tpu.dma_semaphore, #tpu.memory_space<semaphore_mem>>)
      %mul3A_301 = arith.constant 96 : i32
      %mul3A_302 = arith.muli %add3A_295, %mul3A_301 : i32
      %multiple_of3A_303 = tpu.assume_multiple %mul3A_302, 8 : i32
      %dma_start3A_304 = tpu.memref_slice %arg7[%multiple_of3A_303] : memref<10080xi32, #tpu.memory_space<vmem>> -> memref<96xi32, #tpu.memory_space<vmem>>
      %dma_start3A_305 = arith.constant 0 : i32
      %dma_start3A_306 = arith.constant 0 : i32
      %dma_start3A_307 = tpu.memref_slice %arg2[%dma_start3A_305, %dma_start3A_306] : memref<10000x128xf32, #tpu.memory_space<hbm>> -> memref<10000x128xf32, #tpu.memory_space<hbm>>
      tpu.enqueue_indirect_dma source(%dma_start3A_307 : memref<10000x128xf32, #tpu.memory_space<hbm>>) target(%arg12 : memref<96x128xf32, #tpu.memory_space<vmem>>) offsets(%dma_start3A_304 : memref<96xi32, #tpu.memory_space<vmem>>) semaphore(%arg16 : memref<!tpu.dma_semaphore, #tpu.memory_space<semaphore_mem>>)
      %dma_wait3A_308 = arith.constant 0 : i32
      %dma_wait3A_309 = tpu.memref_slice %arg7[%dma_wait3A_308] : memref<10080xi32, #tpu.memory_space<vmem>> -> memref<96xi32, #tpu.memory_space<vmem>>
      %dma_wait3A_310 = arith.constant 0 : i32
      %dma_wait3A_311 = arith.constant 0 : i32
      %dma_wait3A_312 = tpu.memref_slice %arg2[%dma_wait3A_310, %dma_wait3A_311] : memref<10000x128xf32, #tpu.memory_space<hbm>> -> memref<10000x128xf32, #tpu.memory_space<hbm>>
      tpu.wait_indirect_dma semaphore(%arg20 : memref<!tpu.dma_semaphore, #tpu.memory_space<semaphore_mem>>) src(%dma_wait3A_312 : memref<10000x128xf32, #tpu.memory_space<hbm>>) dst(%arg13 : memref<96x128xf32, #tpu.memory_space<vmem>>)
      %add3A_313 = arith.constant 3 : i32
      %add3A_314 = arith.addi %mul3A_229, %add3A_313 : i32
      %add3A_315 = arith.constant 2 : i32
      %add3A_316 = arith.addi %add3A_314, %add3A_315 : i32
      %mul3A_317 = arith.constant 96 : i32
      %mul3A_318 = arith.muli %add3A_316, %mul3A_317 : i32
      %add3A_319 = arith.addi %mul3A_2, %mul3A_318 : i32
      %dma_start3A_320 = tpu.memref_slice %arg4[%add3A_319] : memref<322560xi32, #tpu.memory_space<hbm>> -> memref<96xi32, #tpu.memory_space<hbm>>
      %dma_start3A_321 = tpu.memref_slice %arg4[%add3A_319] : memref<322560xi32, #tpu.memory_space<hbm>> -> memref<96xi32, #tpu.memory_space<hbm>>
      tpu.enqueue_dma source(%dma_start3A_321 : memref<96xi32, #tpu.memory_space<hbm>>) target(%arg10 : memref<96xi32, #tpu.memory_space<vmem>>) target_semaphore(%arg17 : memref<!tpu.dma_semaphore, #tpu.memory_space<semaphore_mem>>)
      %mul3A_322 = arith.constant 96 : i32
      %mul3A_323 = arith.muli %add3A_316, %mul3A_322 : i32
      %multiple_of3A_324 = tpu.assume_multiple %mul3A_323, 8 : i32
      %dma_start3A_325 = tpu.memref_slice %arg7[%multiple_of3A_324] : memref<10080xi32, #tpu.memory_space<vmem>> -> memref<96xi32, #tpu.memory_space<vmem>>
      %dma_start3A_326 = arith.constant 0 : i32
      %dma_start3A_327 = arith.constant 0 : i32
      %dma_start3A_328 = tpu.memref_slice %arg2[%dma_start3A_326, %dma_start3A_327] : memref<10000x128xf32, #tpu.memory_space<hbm>> -> memref<10000x128xf32, #tpu.memory_space<hbm>>
      tpu.enqueue_indirect_dma source(%dma_start3A_328 : memref<10000x128xf32, #tpu.memory_space<hbm>>) target(%arg13 : memref<96x128xf32, #tpu.memory_space<vmem>>) offsets(%dma_start3A_325 : memref<96xi32, #tpu.memory_space<vmem>>) semaphore(%arg17 : memref<!tpu.dma_semaphore, #tpu.memory_space<semaphore_mem>>)
    }
    %scan3A_168 = arith.constant 34 : i32
    %dma_wait3A_169 = arith.constant 0 : i32
    %dma_wait3A_170 = tpu.memref_slice %arg7[%dma_wait3A_169] : memref<10080xi32, #tpu.memory_space<vmem>> -> memref<96xi32, #tpu.memory_space<vmem>>
    %dma_wait3A_171 = arith.constant 0 : i32
    %dma_wait3A_172 = arith.constant 0 : i32
    %dma_wait3A_173 = tpu.memref_slice %arg2[%dma_wait3A_171, %dma_wait3A_172] : memref<10000x128xf32, #tpu.memory_space<hbm>> -> memref<10000x128xf32, #tpu.memory_space<hbm>>
    tpu.wait_indirect_dma semaphore(%arg15 : memref<!tpu.dma_semaphore, #tpu.memory_space<semaphore_mem>>) src(%dma_wait3A_173 : memref<10000x128xf32, #tpu.memory_space<hbm>>) dst(%arg11 : memref<96x128xf32, #tpu.memory_space<vmem>>)
    %dma_wait3A_174 = arith.constant 0 : i32
    %dma_wait3A_175 = tpu.memref_slice %arg4[%dma_wait3A_174] : memref<322560xi32, #tpu.memory_space<hbm>> -> memref<96xi32, #tpu.memory_space<hbm>>
    %dma_wait3A_176 = arith.constant 0 : i32
    %dma_wait3A_177 = tpu.memref_slice %arg4[%dma_wait3A_176] : memref<322560xi32, #tpu.memory_space<hbm>> -> memref<96xi32, #tpu.memory_space<hbm>>
    tpu.wait_dma2 semaphore(%arg15 : memref<!tpu.dma_semaphore, #tpu.memory_space<semaphore_mem>>) src(%dma_wait3A_177 : memref<96xi32, #tpu.memory_space<hbm>>) dst(%arg8 : memref<96xi32, #tpu.memory_space<vmem>>)
    %dma_start3A_178 = arith.constant 0 : i32
    %dma_start3A_179 = arith.constant 0 : i32
    %dma_start3A_180 = tpu.memref_slice %arg6[%dma_start3A_178, %dma_start3A_179] : memref<10112x128xf32, #tpu.memory_space<vmem_shared>> -> memref<10112x128xf32, #tpu.memory_space<vmem_shared>>
    tpu.enqueue_indirect_dma source(%arg11 : memref<96x128xf32, #tpu.memory_space<vmem>>) target(%dma_start3A_180 : memref<10112x128xf32, #tpu.memory_space<vmem_shared>>) offsets(%arg8 : memref<96xi32, #tpu.memory_space<vmem>>) semaphore(%arg18 : memref<!tpu.dma_semaphore, #tpu.memory_space<semaphore_mem>>) {add = true}
    %dma_wait3A_181 = arith.constant 0 : i32
    %dma_wait3A_182 = tpu.memref_slice %arg7[%dma_wait3A_181] : memref<10080xi32, #tpu.memory_space<vmem>> -> memref<96xi32, #tpu.memory_space<vmem>>
    %dma_wait3A_183 = arith.constant 0 : i32
    %dma_wait3A_184 = arith.constant 0 : i32
    %dma_wait3A_185 = tpu.memref_slice %arg2[%dma_wait3A_183, %dma_wait3A_184] : memref<10000x128xf32, #tpu.memory_space<hbm>> -> memref<10000x128xf32, #tpu.memory_space<hbm>>
    tpu.wait_indirect_dma semaphore(%arg16 : memref<!tpu.dma_semaphore, #tpu.memory_space<semaphore_mem>>) src(%dma_wait3A_185 : memref<10000x128xf32, #tpu.memory_space<hbm>>) dst(%arg12 : memref<96x128xf32, #tpu.memory_space<vmem>>)
    %dma_wait3A_186 = arith.constant 0 : i32
    %dma_wait3A_187 = tpu.memref_slice %arg4[%dma_wait3A_186] : memref<322560xi32, #tpu.memory_space<hbm>> -> memref<96xi32, #tpu.memory_space<hbm>>
    %dma_wait3A_188 = arith.constant 0 : i32
    %dma_wait3A_189 = tpu.memref_slice %arg4[%dma_wait3A_188] : memref<322560xi32, #tpu.memory_space<hbm>> -> memref<96xi32, #tpu.memory_space<hbm>>
    tpu.wait_dma2 semaphore(%arg16 : memref<!tpu.dma_semaphore, #tpu.memory_space<semaphore_mem>>) src(%dma_wait3A_189 : memref<96xi32, #tpu.memory_space<hbm>>) dst(%arg9 : memref<96xi32, #tpu.memory_space<vmem>>)
    %dma_start3A_190 = arith.constant 0 : i32
    %dma_start3A_191 = arith.constant 0 : i32
    %dma_start3A_192 = tpu.memref_slice %arg6[%dma_start3A_190, %dma_start3A_191] : memref<10112x128xf32, #tpu.memory_space<vmem_shared>> -> memref<10112x128xf32, #tpu.memory_space<vmem_shared>>
    tpu.enqueue_indirect_dma source(%arg12 : memref<96x128xf32, #tpu.memory_space<vmem>>) target(%dma_start3A_192 : memref<10112x128xf32, #tpu.memory_space<vmem_shared>>) offsets(%arg9 : memref<96xi32, #tpu.memory_space<vmem>>) semaphore(%arg19 : memref<!tpu.dma_semaphore, #tpu.memory_space<semaphore_mem>>) {add = true}
    %dma_wait3A_193 = arith.constant 0 : i32
    %dma_wait3A_194 = tpu.memref_slice %arg7[%dma_wait3A_193] : memref<10080xi32, #tpu.memory_space<vmem>> -> memref<96xi32, #tpu.memory_space<vmem>>
    %dma_wait3A_195 = arith.constant 0 : i32
    %dma_wait3A_196 = arith.constant 0 : i32
    %dma_wait3A_197 = tpu.memref_slice %arg2[%dma_wait3A_195, %dma_wait3A_196] : memref<10000x128xf32, #tpu.memory_space<hbm>> -> memref<10000x128xf32, #tpu.memory_space<hbm>>
    tpu.wait_indirect_dma semaphore(%arg17 : memref<!tpu.dma_semaphore, #tpu.memory_space<semaphore_mem>>) src(%dma_wait3A_197 : memref<10000x128xf32, #tpu.memory_space<hbm>>) dst(%arg13 : memref<96x128xf32, #tpu.memory_space<vmem>>)
    %dma_wait3A_198 = arith.constant 0 : i32
    %dma_wait3A_199 = tpu.memref_slice %arg4[%dma_wait3A_198] : memref<322560xi32, #tpu.memory_space<hbm>> -> memref<96xi32, #tpu.memory_space<hbm>>
    %dma_wait3A_200 = arith.constant 0 : i32
    %dma_wait3A_201 = tpu.memref_slice %arg4[%dma_wait3A_200] : memref<322560xi32, #tpu.memory_space<hbm>> -> memref<96xi32, #tpu.memory_space<hbm>>
    tpu.wait_dma2 semaphore(%arg17 : memref<!tpu.dma_semaphore, #tpu.memory_space<semaphore_mem>>) src(%dma_wait3A_201 : memref<96xi32, #tpu.memory_space<hbm>>) dst(%arg10 : memref<96xi32, #tpu.memory_space<vmem>>)
    %dma_start3A_202 = arith.constant 0 : i32
    %dma_start3A_203 = arith.constant 0 : i32
    %dma_start3A_204 = tpu.memref_slice %arg6[%dma_start3A_202, %dma_start3A_203] : memref<10112x128xf32, #tpu.memory_space<vmem_shared>> -> memref<10112x128xf32, #tpu.memory_space<vmem_shared>>
    tpu.enqueue_indirect_dma source(%arg13 : memref<96x128xf32, #tpu.memory_space<vmem>>) target(%dma_start3A_204 : memref<10112x128xf32, #tpu.memory_space<vmem_shared>>) offsets(%arg10 : memref<96xi32, #tpu.memory_space<vmem>>) semaphore(%arg20 : memref<!tpu.dma_semaphore, #tpu.memory_space<semaphore_mem>>) {add = true}
    %dma_wait3A_205 = arith.constant 0 : i32
    %dma_wait3A_206 = tpu.memref_slice %arg7[%dma_wait3A_205] : memref<10080xi32, #tpu.memory_space<vmem>> -> memref<96xi32, #tpu.memory_space<vmem>>
    %dma_wait3A_207 = arith.constant 0 : i32
    %dma_wait3A_208 = arith.constant 0 : i32
    %dma_wait3A_209 = tpu.memref_slice %arg2[%dma_wait3A_207, %dma_wait3A_208] : memref<10000x128xf32, #tpu.memory_space<hbm>> -> memref<10000x128xf32, #tpu.memory_space<hbm>>
    tpu.wait_indirect_dma semaphore(%arg18 : memref<!tpu.dma_semaphore, #tpu.memory_space<semaphore_mem>>) src(%dma_wait3A_209 : memref<10000x128xf32, #tpu.memory_space<hbm>>) dst(%arg11 : memref<96x128xf32, #tpu.memory_space<vmem>>)
    %dma_wait3A_210 = arith.constant 0 : i32
    %dma_wait3A_211 = tpu.memref_slice %arg7[%dma_wait3A_210] : memref<10080xi32, #tpu.memory_space<vmem>> -> memref<96xi32, #tpu.memory_space<vmem>>
    %dma_wait3A_212 = arith.constant 0 : i32
    %dma_wait3A_213 = arith.constant 0 : i32
    %dma_wait3A_214 = tpu.memref_slice %arg2[%dma_wait3A_212, %dma_wait3A_213] : memref<10000x128xf32, #tpu.memory_space<hbm>> -> memref<10000x128xf32, #tpu.memory_space<hbm>>
    tpu.wait_indirect_dma semaphore(%arg19 : memref<!tpu.dma_semaphore, #tpu.memory_space<semaphore_mem>>) src(%dma_wait3A_214 : memref<10000x128xf32, #tpu.memory_space<hbm>>) dst(%arg12 : memref<96x128xf32, #tpu.memory_space<vmem>>)
    %dma_wait3A_215 = arith.constant 0 : i32
    %dma_wait3A_216 = tpu.memref_slice %arg7[%dma_wait3A_215] : memref<10080xi32, #tpu.memory_space<vmem>> -> memref<96xi32, #tpu.memory_space<vmem>>
    %dma_wait3A_217 = arith.constant 0 : i32
    %dma_wait3A_218 = arith.constant 0 : i32
    %dma_wait3A_219 = tpu.memref_slice %arg2[%dma_wait3A_217, %dma_wait3A_218] : memref<10000x128xf32, #tpu.memory_space<hbm>> -> memref<10000x128xf32, #tpu.memory_space<hbm>>
    tpu.wait_indirect_dma semaphore(%arg20 : memref<!tpu.dma_semaphore, #tpu.memory_space<semaphore_mem>>) src(%dma_wait3A_219 : memref<10000x128xf32, #tpu.memory_space<hbm>>) dst(%arg13 : memref<96x128xf32, #tpu.memory_space<vmem>>)
    %barrier3A_220 = arith.constant 0 : index
    tpu.barrier barrier_id(%barrier3A_220)
    %lt3A = arith.constant 15 : i32
    %lt3A_221 = arith.cmpi slt, %arg1, %lt3A : i32
    %convert_element_type3A = arith.extui %lt3A_221 : i1 to i32
    %cond3A = arith.constant 0 : i32
    %cond3A_222 = arith.cmpi ne, %convert_element_type3A, %cond3A : i32
    scf.if %cond3A_222 {
      %mul3A_227 = arith.constant 632 : i32
      %mul3A_228 = arith.muli %arg1, %mul3A_227 : i32
      %mul3A_229 = arith.constant 632 : i32
      %mul3A_230 = arith.muli %arg1, %mul3A_229 : i32
      %dma_start3A_231 = arith.constant 0 : i32
      %dma_start3A_232 = tpu.memref_slice %arg5[%arg0, %mul3A_230, %dma_start3A_231] : memref<2x10000x128xf32, #tpu.memory_space<hbm>> -> memref<1x312x128xf32, #tpu.memory_space<hbm>>
      %dma_start3A_233 = tpu.memref_squeeze %dma_start3A_232 : memref<1x312x128xf32, #tpu.memory_space<hbm>> -> memref<312x128xf32, #tpu.memory_space<hbm>>
      %dma_start3A_234 = arith.constant 0 : i32
      %dma_start3A_235 = tpu.memref_slice %arg6[%mul3A_228, %dma_start3A_234] : memref<10112x128xf32, #tpu.memory_space<vmem_shared>> -> memref<312x128xf32, #tpu.memory_space<vmem_shared>>
      tpu.enqueue_dma source(%dma_start3A_235 : memref<312x128xf32, #tpu.memory_space<vmem_shared>>) target(%dma_start3A_233 : memref<312x128xf32, #tpu.memory_space<hbm>>) target_semaphore(%arg15 : memref<!tpu.dma_semaphore, #tpu.memory_space<semaphore_mem>>)
      %mul3A_236 = arith.constant 632 : i32
      %mul3A_237 = arith.muli %arg1, %mul3A_236 : i32
      %add3A_238 = arith.constant 312 : i32
      %add3A_239 = arith.addi %mul3A_237, %add3A_238 : i32
      %mul3A_240 = arith.constant 632 : i32
      %mul3A_241 = arith.muli %arg1, %mul3A_240 : i32
      %add3A_242 = arith.constant 312 : i32
      %add3A_243 = arith.addi %mul3A_241, %add3A_242 : i32
      %dma_start3A_244 = arith.constant 0 : i32
      %dma_start3A_245 = tpu.memref_slice %arg5[%arg0, %add3A_243, %dma_start3A_244] : memref<2x10000x128xf32, #tpu.memory_space<hbm>> -> memref<1x320x128xf32, #tpu.memory_space<hbm>>
      %dma_start3A_246 = tpu.memref_squeeze %dma_start3A_245 : memref<1x320x128xf32, #tpu.memory_space<hbm>> -> memref<320x128xf32, #tpu.memory_space<hbm>>
      %dma_start3A_247 = arith.constant 0 : i32
      %dma_start3A_248 = tpu.memref_slice %arg6[%add3A_239, %dma_start3A_247] : memref<10112x128xf32, #tpu.memory_space<vmem_shared>> -> memref<320x128xf32, #tpu.memory_space<vmem_shared>>
      tpu.enqueue_dma source(%dma_start3A_248 : memref<320x128xf32, #tpu.memory_space<vmem_shared>>) target(%dma_start3A_246 : memref<320x128xf32, #tpu.memory_space<hbm>>) target_semaphore(%arg16 : memref<!tpu.dma_semaphore, #tpu.memory_space<semaphore_mem>>)
      %mul3A_249 = arith.constant 632 : i32
      %mul3A_250 = arith.muli %arg1, %mul3A_249 : i32
      %mul3A_251 = arith.constant 632 : i32
      %mul3A_252 = arith.muli %arg1, %mul3A_251 : i32
      %dma_wait3A_253 = arith.constant 0 : i32
      %dma_wait3A_254 = tpu.memref_slice %arg5[%arg0, %mul3A_252, %dma_wait3A_253] : memref<2x10000x128xf32, #tpu.memory_space<hbm>> -> memref<1x312x128xf32, #tpu.memory_space<hbm>>
      %dma_wait3A_255 = tpu.memref_squeeze %dma_wait3A_254 : memref<1x312x128xf32, #tpu.memory_space<hbm>> -> memref<312x128xf32, #tpu.memory_space<hbm>>
      %dma_wait3A_256 = arith.constant 0 : i32
      %dma_wait3A_257 = tpu.memref_slice %arg6[%mul3A_250, %dma_wait3A_256] : memref<10112x128xf32, #tpu.memory_space<vmem_shared>> -> memref<312x128xf32, #tpu.memory_space<vmem_shared>>
      tpu.wait_dma2 semaphore(%arg15 : memref<!tpu.dma_semaphore, #tpu.memory_space<semaphore_mem>>) src(%dma_wait3A_257 : memref<312x128xf32, #tpu.memory_space<vmem_shared>>) dst(%dma_wait3A_255 : memref<312x128xf32, #tpu.memory_space<hbm>>)
      %mul3A_258 = arith.constant 632 : i32
      %mul3A_259 = arith.muli %arg1, %mul3A_258 : i32
      %add3A_260 = arith.constant 312 : i32
      %add3A_261 = arith.addi %mul3A_259, %add3A_260 : i32
      %mul3A_262 = arith.constant 632 : i32
      %mul3A_263 = arith.muli %arg1, %mul3A_262 : i32
      %add3A_264 = arith.constant 312 : i32
      %add3A_265 = arith.addi %mul3A_263, %add3A_264 : i32
      %dma_wait3A_266 = arith.constant 0 : i32
      %dma_wait3A_267 = tpu.memref_slice %arg5[%arg0, %add3A_265, %dma_wait3A_266] : memref<2x10000x128xf32, #tpu.memory_space<hbm>> -> memref<1x320x128xf32, #tpu.memory_space<hbm>>
      %dma_wait3A_268 = tpu.memref_squeeze %dma_wait3A_267 : memref<1x320x128xf32, #tpu.memory_space<hbm>> -> memref<320x128xf32, #tpu.memory_space<hbm>>
      %dma_wait3A_269 = arith.constant 0 : i32
      %dma_wait3A_270 = tpu.memref_slice %arg6[%add3A_261, %dma_wait3A_269] : memref<10112x128xf32, #tpu.memory_space<vmem_shared>> -> memref<320x128xf32, #tpu.memory_space<vmem_shared>>
      tpu.wait_dma2 semaphore(%arg16 : memref<!tpu.dma_semaphore, #tpu.memory_space<semaphore_mem>>) src(%dma_wait3A_270 : memref<320x128xf32, #tpu.memory_space<vmem_shared>>) dst(%dma_wait3A_268 : memref<320x128xf32, #tpu.memory_space<hbm>>)
    } else {
    }
    %eq3A = arith.constant 15 : i32
    %eq3A_223 = arith.cmpi eq, %arg1, %eq3A : i32
    %convert_element_type3A_224 = arith.extui %eq3A_223 : i1 to i32
    %cond3A_225 = arith.constant 0 : i32
    %cond3A_226 = arith.cmpi ne, %convert_element_type3A_224, %cond3A_225 : i32
    scf.if %cond3A_226 {
      "tpu.region"() ({
        %run_scoped3A = tpu.sem_alloc : memref<!tpu.dma_semaphore, #tpu.memory_space<semaphore_mem>>
        %dma_start3A_227 = arith.constant 9480 : i32
        %dma_start3A_228 = arith.constant 0 : i32
        %dma_start3A_229 = tpu.memref_slice %arg5[%arg0, %dma_start3A_227, %dma_start3A_228] : memref<2x10000x128xf32, #tpu.memory_space<hbm>> -> memref<1x520x128xf32, #tpu.memory_space<hbm>>
        %dma_start3A_230 = tpu.memref_squeeze %dma_start3A_229 : memref<1x520x128xf32, #tpu.memory_space<hbm>> -> memref<520x128xf32, #tpu.memory_space<hbm>>
        %dma_start3A_231 = arith.constant 9480 : i32
        %dma_start3A_232 = arith.constant 0 : i32
        %dma_start3A_233 = tpu.memref_slice %arg6[%dma_start3A_231, %dma_start3A_232] : memref<10112x128xf32, #tpu.memory_space<vmem_shared>> -> memref<520x128xf32, #tpu.memory_space<vmem_shared>>
        tpu.enqueue_dma source(%dma_start3A_233 : memref<520x128xf32, #tpu.memory_space<vmem_shared>>) target(%dma_start3A_230 : memref<520x128xf32, #tpu.memory_space<hbm>>) target_semaphore(%run_scoped3A : memref<!tpu.dma_semaphore, #tpu.memory_space<semaphore_mem>>)
        %dma_wait3A_234 = arith.constant 9480 : i32
        %dma_wait3A_235 = arith.constant 0 : i32
        %dma_wait3A_236 = tpu.memref_slice %arg5[%arg0, %dma_wait3A_234, %dma_wait3A_235] : memref<2x10000x128xf32, #tpu.memory_space<hbm>> -> memref<1x520x128xf32, #tpu.memory_space<hbm>>
        %dma_wait3A_237 = tpu.memref_squeeze %dma_wait3A_236 : memref<1x520x128xf32, #tpu.memory_space<hbm>> -> memref<520x128xf32, #tpu.memory_space<hbm>>
        %dma_wait3A_238 = arith.constant 9480 : i32
        %dma_wait3A_239 = arith.constant 0 : i32
        %dma_wait3A_240 = tpu.memref_slice %arg6[%dma_wait3A_238, %dma_wait3A_239] : memref<10112x128xf32, #tpu.memory_space<vmem_shared>> -> memref<520x128xf32, #tpu.memory_space<vmem_shared>>
        tpu.wait_dma2 semaphore(%run_scoped3A : memref<!tpu.dma_semaphore, #tpu.memory_space<semaphore_mem>>) src(%dma_wait3A_240 : memref<520x128xf32, #tpu.memory_space<vmem_shared>>) dst(%dma_wait3A_237 : memref<520x128xf32, #tpu.memory_space<hbm>>)
        tpu.yield
      }) : () -> ()
    } else {
    }
    return
  }
}

</mosaic_0001>

<sc_bundles>
// kernel: _sc_agg.3.cloned.1.call-start
scs
__scs_entry_jumppad:
0x0: {  	(pc) =	sbr.rel $0x88, $3  }
0x1: {  	(tag) =	ssettag $0x0;
	lr =	simm.s32 $0x1  }
0x2: {  	[smem:$0x3F9E] =	sst lr;
	_ =	strace $0xD0000000  }
0x3: {  	_ = 	snop  }
0x4: {  	_ = 	snop  }
0x5: {  	_ = 	snop  }
0x6: {  	_ = 	snop  }
0x7: {  	_ = 	snop  }
__scs_overlays_trampoline_lowered:
0x8: {  	[smem:$0x3FAD] =	sst s0  }
0x9: {  	[smem:$0x3FAE] =	sst s1  }
0xa: {  	[smem:$0x3FAF] =	sst s2  }
0xb: {  	[smem:$0x3FB0] =	sst s3  }
0xc: {  	[smem:$0x3FB1] =	sst s4  }
0xd: {  	[smem:$0x3FB2] =	sst s5  }
0xe: {  	[smem:$0x3FB3] =	sst s6  }
0xf: {  	[smem:$0x3FB4] =	sst s7  }
0x10: {  	[smem:$0x3FB5] =	sst s8  }
0x11: {  	[smem:$0x3FB6] =	sst s9;
	s0 =	simm.s32 @!p0 $0x0  }
0x12: {  	s1 =	sld [smem:$0x3F9C];
	s0 =	simm.s32 @p0 $0x1  }
0x13: {  	[smem:$0x3FB7] =	sst s0;
	s0 =	simm.s32 @!p1 $0x0  }
0x14: {  	s2 =	sld [smem:$0x3F9B];
	s0 =	simm.s32 @p1 $0x1  }
0x15: {  	[smem:$0x3FB8] =	sst s0;
	s0 =	simm.s32 @!p2 $0x0  }
0x16: {  	s3 =	sld [smem:$0x3FDB];
	s0 =	simm.s32 @p2 $0x1  }
0x17: {  	s4 =	simm.s32 $0x1BF5;
	[smem:$0x3FBA] =	sst s0  }
0x18: {  	s0 =	sld [smem:$0x3F9D];
	_ =	swait.ge [sflag:s4], $0x0  }
0x19: {  	s7 =	sld [smem:$0x3F9E]  }
0x1a: {  	s8 =	sadd.s32 $0xFFFFE003, lr  }
0x1b: {  	s9 =	sadd.s32 $0xFFFFFEF7, lr;
	s5 =	simm.s32 $0xFFFFFFFF;
	p2 =	slt.u32 s8, $0xFFFFF086  }
0x1c: {  	p1 =	slt.u32 s9, $0xF7A;
	s5 =	simm.s32 @!p2 $0x0  }
0x1d: {  	s5 =	simm.s32 @p1 $0x1;
	p0 =	seq.s32 s7, s2  }
0x1e: {  	s7 =	smul.u32 @!p0 $0xF7A, s2;
	p2 =	seq.s32 @!p0 s5, $0x0  }
0x1f: {  	s9 =	smul.u32 $0xF7A, s1;
	s8 =	simm.s32 @!p0 $0x1BF5;
	p2 =	por !p2, p0  }
0x20: {  	[sflag:s8] =	ssyncset.s32 @!p0 $0xFFFFF086;
	s6 =	sadd.s32 @!p0 s3, s7;
	s7 =	simm.s32 @!p0 $0x108  }
0x21: {  	s3 =	sadd.s32 s3, s9;
	s6 =	sadd.s32 @!p0 $0x88, s6;
	s7 =	simm.s32 @p2 $0x1082  }
0x22: {  	[simem:s7], [sflag:s8] =	dma.local @!p0 [hbm:s6], $0xF7A  }
0x23: {  	s9 =	sor.u32 $0xD0000000, s2;
	s6 =	simm.s32 $0x108;
	_ =	swait.ge @!p0 [sflag:s8], $0x0  }
0x24: {  	s3 =	sadd.s32 $0x88, s3;
	s6 =	simm.s32 @!p1 $0x1082;
	[sflag:s4] =	ssyncset.s32 $0xFFFFF086  }
0x25: {  	[simem:s6], [sflag:s4] =	dma.local [hbm:s3], $0xF7A  }
0x26: {  	[smem:$0x3F9E] =	sst s1;
	(tag) =	ssettag s2;
	_ =	strace s9  }
0x27: {  	s1 =	sld [smem:$0x3FAE]  }
0x28: {  	s2 =	sld [smem:$0x3FAF]  }
0x29: {  	s4 =	sld [smem:$0x3FB1]  }
0x2a: {  	p0 =	seq.s32 s5, $0x0;
	s5 =	sld [smem:$0x3FB2]  }
0x2b: {  	s6 =	sld [smem:$0x3FB3]  }
0x2c: {  	s7 =	sld [smem:$0x3FB4]  }
0x2d: {  	s3 =	simm.s32 $0x108;
	s8 =	sld [smem:$0x3FB5]  }
0x2e: {  	s3 =	simm.s32 @!p0 $0x1082;
	s9 =	sld [smem:$0x3FB6]  }
0x2f: {  	lr =	sadd.s32 s0, s3;
	s0 =	sld [smem:$0x3FAD]  }
0x30: {  	s3 =	sld [smem:$0x3FB0]  }
0x31: {  	[smem:$0x3FB9] =	sst s10  }
0x32: {  	s10 =	sld [smem:$0x3FB7];
	_ =	sdelay $0x3  }
0x33: {  	p0 =	seq.s32 s10, $0x1;
	s10 =	sld [smem:$0x3FB9];
	_ =	sdelay $0x3  }
0x34: {  	[smem:$0x3FB9] =	sst s10  }
0x35: {  	s10 =	sld [smem:$0x3FB8];
	_ =	sdelay $0x3  }
0x36: {  	p1 =	seq.s32 s10, $0x1;
	s10 =	sld [smem:$0x3FB9];
	_ =	sdelay $0x3  }
0x37: {  	[smem:$0x3FB9] =	sst s10  }
0x38: {  	s10 =	sld [smem:$0x3FBA]  }
0x39: {  	_ = 	snop;
	(pc) =	sbr.ind lr, $3  }
0x3a: {  	_ = 	snop  }
0x3b: {  	_ = 	snop  }
0x3c: {  	p2 =	seq.s32 s10, $0x1;
	s10 =	sld [smem:$0x3FB9]  }
0x3d: {  	_ =	shalt  }
0x3e: {  	_ =	shalt  }
0x3f: {  	_ =	shalt  }
0x40: {  	_ =	shalt  }
0x41: {  	_ =	shalt  }
0x42: {  	_ =	shalt  }
0x43: {  	_ =	shalt  }
0x44: {  	_ =	shalt  }
0x45: {  	_ =	shalt  }
0x46: {  	_ =	shalt  }
0x47: {  	_ =	shalt  }
0x48: {  	_ =	shalt  }
0x49: {  	_ =	shalt  }
0x4a: {  	_ =	shalt  }
0x4b: {  	_ =	shalt  }
0x4c: {  	_ =	shalt  }
0x4d: {  	_ =	shalt  }
0x4e: {  	_ =	shalt  }
0x4f: {  	_ =	shalt  }
0x50: {  	_ =	shalt  }
0x51: {  	_ =	shalt  }
0x52: {  	_ =	shalt  }
0x53: {  	_ =	shalt  }
0x54: {  	_ =	shalt  }
0x55: {  	_ =	shalt  }
0x56: {  	_ =	shalt  }
0x57: {  	_ =	shalt  }
0x58: {  	_ =	shalt  }
0x59: {  	_ =	shalt  }
0x5a: {  	_ =	shalt  }
0x5b: {  	_ =	shalt  }
0x5c: {  	_ =	shalt  }
0x5d: {  	_ =	shalt  }
0x5e: {  	_ =	shalt  }
0x5f: {  	_ =	shalt  }
0x60: {  	_ =	shalt  }
0x61: {  	_ =	shalt  }
0x62: {  	_ =	shalt  }
0x63: {  	_ =	shalt  }
0x64: {  	_ =	shalt  }
0x65: {  	_ =	shalt  }
0x66: {  	_ =	shalt  }
0x67: {  	_ =	shalt  }
0x68: {  	_ =	shalt  }
0x69: {  	_ =	shalt  }
0x6a: {  	_ =	shalt  }
0x6b: {  	_ =	shalt  }
0x6c: {  	_ =	shalt  }
0x6d: {  	_ =	shalt  }
0x6e: {  	_ =	shalt  }
0x6f: {  	_ =	shalt  }
0x70: {  	_ =	shalt  }
0x71: {  	_ =	shalt  }
0x72: {  	_ =	shalt  }
0x73: {  	_ =	shalt  }
0x74: {  	_ =	shalt  }
0x75: {  	_ =	shalt  }
0x76: {  	_ =	shalt  }
0x77: {  	_ =	shalt  }
0x78: {  	_ =	shalt  }
0x79: {  	_ =	shalt  }
0x7a: {  	_ =	shalt  }
0x7b: {  	_ =	shalt  }
0x7c: {  	_ =	shalt  }
0x7d: {  	_ =	shalt  }
0x7e: {  	_ =	shalt  }
0x7f: {  	_ =	shalt  }
0x80: {  	_ =	shalt  }
0x81: {  	_ =	shalt  }
0x82: {  	_ =	shalt  }
0x83: {  	_ =	shalt  }
0x84: {  	_ =	shalt  }
0x85: {  	_ =	shalt  }
0x86: {  	_ =	shalt  }
0x87: {  	_ =	shalt  }
.Lfunc_end0:
.L_simem_size_0:
called_computation_lowered:
.L_overlay_start_0:
0x88: {  	s2 =	sld [smem:$0x3FD9]  }
0x89: {  	s3 =	sld [smem:$0x3FFE];
	_ =	sdelay $0x1  }
0x8a: {  	s1 =	srdreg.scid  }
0x8b: {  	s0 =	sand.u32 $0x1, s1  }
0x8c: {  	s18 =	sshll.u32 s0, $0xA;
	s2 =	sadd.s32 s3, s2  }
0x8d: {  	s2 =	sadd.s32 s2, s18  }
0x8e: {  	[smem:$0x3FC5] =	sst s2  }
0x8f: {  	_ = 	snop  }
0x90: {  	s2 =	sld [smem:$0x3FC9]  }
0x91: {  	s19 =	sld [smem:$0x3FC8]  }
0x92: {  	s4 =	sld [smem:$0x3FC7]  }
0x93: {  	s5 =	sld [smem:$0x3FD0];
	(tm) =	ssettm $0x1  }
0x94: {  	s6 =	sld [smem:$0x3FFB];
	_ =	sdelay $0x3  }
0x95: {  	_ =	strace s6  }
0x96: {  	s6 =	sld [smem:$0x3FFC];
	_ =	sdelay $0x3  }
0x97: {  	_ =	strace s6  }
0x98: {  	s6 =	sld [smem:$0x3FFD];
	_ =	sdelay $0x3  }
0x99: {  	_ =	strace s6  }
0x9a: {  	_ =	strace $0x8FFFFFFF  }
0x9b: {  	s20 =	sld [smem:$0x3FDB];
	_ =	sdelay $0x1  }
0x9c: {  	s7 =	simm.s32 $_scs_section_size  }
0x9d: {  	s8 =	simm.s32 $_size__tile_overlayer_lowered;
	s9 =	simm.s32 $_tile_overlayer_lowered  }
0x9e: {  	s23 =	simm.s32 $0x1BFF;
	s22 =	sshll.u32 s9, $0x1;
	s6 =	sadd.s32 s7, s20  }
0x9f: {  	s10 =	simm.s32 $0x0;
	s21 =	sshll.u32 s8, $0x1;
	s8 =	sadd.s32 s22, s6  }
0xa0: {  	[timem:s10], [sflag:s23] =	dma.local [hbm:s8], s21  }
0xa1: {  	_ =	swait.ge [sflag:s23], s21  }
0xa2: {  	s7 =	ssub.s32 $0x0, s21;
	[sflag:s23] =	ssyncset.done $0x0  }
0xa3: {  	[sflag:s23] =	ssyncadd.s32 s7;
	_ =	sdelay $0x1  }
0xa4: {  	s24 =	simm.s32 $0x1B8B  }
0xa5: {  	_ =	swait.ge [sflag:s24], $0x1  }
0xa6: {  	[sflag:s24] =	ssyncset.done $0x0  }
0xa7: {  	s25 =	simm.s32 $0x1B8E;
	[sflag:s24] =	ssyncadd.s32 $0xFFFFFFFF  }
0xa8: {  	s26 =	simm.s32 $execute0_lowered;
	[smem:$0x3FD2] =	sst s25  }
0xa9: {  	s7 =	sshll.u32 s26, $0x1;
	_ =	strace $0x80000046;
	[dreg:$0x1] =	wrdreg $0xFFFFFFFF  }
0xaa: {  	s28 =	simm.s32 $_size_execute0_lowered;
	s6 =	sadd.s32 s6, s7;
	[dreg:$0x0] =	wrdreg $0x0  }
0xab: {  	s7 =	sshll.u32 s28, $0x1;
	[dreg:$0x2] =	wrdreg s6  }
0xac: {  	[dreg:$0x3] =	wrdreg s7  }
0xad: {  	[dreg:$0x4] =	wrdreg $0xC0  }
0xae: {  	_ =	task [dreg:s10], $0x5FFFF  }
0xaf: {  	[dreg:$0x1] =	wrdreg $0xFFFFFFFF  }
0xb0: {  	[dreg:$0x0] =	wrdreg $0x60  }
0xb1: {  	[dreg:$0x2] =	wrdreg s2  }
0xb2: {  	[dreg:$0x3] =	wrdreg s19  }
0xb3: {  	[dreg:$0x4] =	wrdreg s4  }
0xb4: {  	[dreg:$0x5] =	wrdreg s5  }
0xb5: {  	[dreg:$0x6] =	wrdreg $0x0  }
0xb6: {  	[dreg:$0x7] =	wrdreg $0x9  }
0xb7: {  	_ =	task.clear_ibuf [dreg:s10], $0x8FFFF;
	_ =	strace $0x90000046  }
0xb8: {  	s29 =	simm.s32 $0x9;
	_ =	strace $0x80000048  }
0xb9: {  	_ =	swait.ge [sflag:s29], $0x1  }
0xba: {  	[sflag:s29] =	ssyncadd.s32 $0xFFFFFFFF  }
0xbb: {  	_ =	strace $0x90000048  }
0xbc: {  	_ =	sfence  }
0xbd: {  	s30 =	sld [smem:$0x0];
	_ =	sdelay $0x2  }
0xbe: {  	s31 =	sshll.u32 s1, $0xD;
	s1 =	sshrl.u32 s1, $0x2  }
0xbf: {  	s3 =	sand.u32 $0x4000, s31;
	s1 =	sadd.s32 s1, s30  }
0xc0: {  	s0 =	sor.u32 s3, s0;
	s1 =	sshll.u32 s1, $0x11  }
0xc1: {  	s0 =	sor.u32 s1, s0  }
0xc2: {  	s0 =	sadd.s32 $0x8F2B, s0  }
0xc3: {  	[sflag:s0] =	ssyncadd.remote.s32 $0x1  }
0xc4: {  	_ =	sfence.sel $0xFFFF  }
0xc5: {  	[dreg:$0x0] =	wrdreg $0xFFFFFFFF;
	(pc) =	sbr.abs _section_cstart, $3  }
0xc6: {  	[dreg:$0x1] =	wrdreg $0xFFFFFFFF  }
0xc7: {  	_ =	task.clear_ibuf [dreg:s10], $0x2FFFF;
	_ =	strace $0x9FFFFFFF  }
0xc8: {  	(tm) =	ssettm $0x7FFFFFFF  }
0xc9: {  	_ =	shalt  }
tec
execute0_lowered:
.L_overlay_start_1:
0x0: {  	(tag) =	ssettag $0x1  }
0x1: {  	s0 =	rddreg [dreg:$0x0]  }
0x2: {  	s1 =	rddreg [dreg:$0x1]  }
0x3: {  	s3 =	rddreg [dreg:$0x2]  }
0x4: {  	s2 =	rddreg [dreg:$0x3]  }
0x5: {  	s4 =	rddreg [dreg:$0x4]  }
0x6: {  	s5 =	srdreg.scid;
	s13 =	stileid.u32;
	s28 =	simm.s32 $0x16500  }
0x7: {  	s29 =	simm.s32 $0x1;
	s7 =	sand.u32 $0x1, s5;
	s6 =	sshll.u32 s13, $0x1  }
0x8: {  	s8 =	smul.u32 $0x4F000, s13;
	s6 =	sor.u32 s7, s6;
	s9 =	ssub.s32 $0x2, s7  }
0x9: {  	s5 =	simm.s32 $0x0;
	s6 =	smul.u32 $0x2760, s6;
	s10 =	sshrl.u32 s9, $0x1  }
0xa: {  	[smem:$0x7FF] =	sst s5;
	s8 =	sshrl.u32 s8, $0x2;
	s21 =	ssub.s32 s9, s10  }
0xb: {  	s11 =	sshrl.u32 s6, $0x3;
	s6 =	sadd.s32 s8, s4;
	s8 =	smax.u32 s21, $0x1  }
0xc: {  	_ =	strace $0x80000047;
	s1 =	sadd.s32 s1, s11;
	[dreg:$0x13] =	wrdreg s8  }
0xd: {  	s30 =	simm.s32 $0x16400;
	s22 =	sadd.s32 $0x3000, s6;
	[dreg:$0x6] =	wrdreg s1  }
0xe: {  	s31 =	simm.s32 $0x60;
	s23 =	sadd.s32 $0x6000, s6;
	[dreg:$0x7] =	wrdreg s22  }
0xf: {  	s12 =	smul.u32 $0x13C00, s13;
	s24 =	sadd.s32 $0x9000, s6;
	[dreg:$0x8] =	wrdreg s23  }
0x10: {  	p0 =	seq.s32 s13, $0xF;
	s26 =	sadd.s32 $0xC000, s6;
	[dreg:$0x9] =	wrdreg s24  }
0x11: {  	s25 =	smul.u32 $0x138800, s7;
	s14 =	sadd.s32 $0xF000, s6;
	[dreg:$0xa] =	wrdreg s26  }
0x12: {  	s7 =	smul.u32 $0x2760, s7;
	s15 =	sadd.s32 $0x12000, s6;
	[dreg:$0xc] =	wrdreg s14  }
0x13: {  	s17 =	sadd.s32 s12, s25;
	s9 =	sadd.s32 s3, s11;
	[dreg:$0xd] =	wrdreg s15  }
0x14: {  	s8 =	simm.s32 $0x5;
	s16 =	sadd.s32 $0xC, s9;
	[dreg:$0xb] =	wrdreg s9  }
0x15: {  	s10 =	sadd.s32 $0x18, s9;
	s9 =	sadd.s32 $0x9C00, s12;
	s12 =	smul.u32 $0x4EC0, s13  }
0x16: {  	s1 =	sshrl.u32 s25, $0x3;
	s13 =	simm.s32 $0x2;
	[dreg:$0xe] =	wrdreg s16  }
0x17: {  	s14 =	simm.s32 $0x3;
	s15 =	simm.s32 $0x4;
	[dreg:$0xf] =	wrdreg s10  }
0x18: {  	s10 =	sshrl.u32 s17, $0x3;
	s18 =	sadd.s32 s25, s9;
	s1 =	sadd.s32 s2, s1  }
0x19: {  	s16 =	simm.s32 $0x0;
	s11 =	sshrl.u32 s18, $0x3;
	s10 =	sadd.s32 s2, s10  }
0x1a: {  	s1 =	sadd.s32 $0x25080, s1;
	s20 =	sadd.s32 s7, s12;
	s7 =	sadd.s32 $0x128400, s4  }
0x1b: {  	[dreg:$0x10] =	wrdreg s10;
	s19 =	sadd.s32 s2, s11;
	s2 =	sadd.s32 s9, s4  }
0x1c: {  	[dreg:$0x12] =	wrdreg s1;
	s23 =	sadd.s32 $0x1E0, s20;
	s24 =	sadd.s32 $0x180, s20  }
0x1d: {  	s1 =	simm.s32 $0x16480;
	s9 =	simm.s32 $0x6;
	s10 =	simm.s32 $0x7  }
0x1e: {  	s11 =	simm.s32 $0x16380;
	[dreg:$0x11] =	wrdreg s19;
	s25 =	sshrl.u32 s23, $0x3  }
0x1f: {  	s26 =	sshrl.u32 s24, $0x3;
	s23 =	sadd.s32 $0x120, s20;
	s24 =	sshrl.u32 @p0 s7, $0x3  }
0x20: {  	s20 =	simm.s32 $0x13C00;
	s7 =	simm.s32 $0x1C500;
	s21 =	sadd.s32 s25, s3  }
0x21: {  	v0 =	vimm.f32 $0.0e+00;
	s22 =	sadd.s32 s26, s3;
	s25 =	sshrl.u32 @!p0 s2, $0x3;
	s2 =	simm.s32 $0x19500  }
.LBB2_1:
0x22: {  	s12 =	rddreg [dreg:$0x6];
	s26 =	sand.u32 $0xFE00, s5  }
0x23: {  	[tilespmem:s20], [sflag:$0x1] =	stream.linear.gather [hbm4b:s12+s5], $0x2760, $0x38;
	[tilespmem:$0x1F500] =	vst v63  }
0x24: {  	s17 =	sand.u32 $0x70, s5;
	s18 =	sshrl.u32 s26, $0x2  }
0x25: {  	s12 =	simm.s32 $0x40;
	s18 =	sor.u32 s17, s18;
	s17 =	simm.s32 $0x0  }
.LBB2_2:
0x26: {  	p1 =	sne.s32 s12, $0xBFC0  }
0x27: {  	[tilespmem:s18+$0x16500] =	vst v0;
	s17 =	sadd.s32 $0x10, s17;
	s18 =	smov.u32 s12;
	s12 =	sadd.s32 $0x40, s12  }
.Ltmp0:
0x28: {  	(pc) =	sbr.rel @p1 .LBB2_2-.Ltmp0, $4  }
0x29: {  	_ = 	snop  }
0x2a: {  	s18 =	sand.u32 $0xFE00, s18  }
0x2b: {  	s19 =	sand.u32 $0x70, s17;
	s18 =	sshrl.u32 s18, $0x2  }
0x2c: {  	s18 =	sor.u32 s19, s18  }
0x2d: {  	[tilespmem:s18+$0x16500] =	vst v0  }
0x2e: {  	[spmem:s6] =	stream.linear.scatter [tilespmem:s28], [sflag:$0x5], $0x3000, $0x38;
	[tilespmem:$0x1F500] =	vst v63  }
0x2f: {  	s12 =	rddreg [dreg:$0x7]  }
0x30: {  	[spmem:s12] =	stream.linear.scatter [tilespmem:s28], [sflag:$0x6], $0x3000, $0x38;
	[tilespmem:$0x1F500] =	vst v63  }
0x31: {  	s17 =	rddreg [dreg:$0x8]  }
0x32: {  	[spmem:s17] =	stream.linear.scatter [tilespmem:s28], [sflag:$0x7], $0x3000, $0x38;
	[tilespmem:$0x1F500] =	vst v63  }
0x33: {  	s18 =	rddreg [dreg:$0x9]  }
0x34: {  	[spmem:s18] =	stream.linear.scatter [tilespmem:s28], [sflag:$0x5], $0x3000, $0x38;
	[tilespmem:$0x1F500] =	vst v63  }
0x35: {  	s19 =	rddreg [dreg:$0xa]  }
0x36: {  	[spmem:s19] =	stream.linear.scatter [tilespmem:s28], [sflag:$0x6], $0x3000, $0x38;
	[tilespmem:$0x1F500] =	vst v63  }
0x37: {  	s26 =	rddreg [dreg:$0xc]  }
0x38: {  	[spmem:s26] =	stream.linear.scatter [tilespmem:s28], [sflag:$0x7], $0x3000, $0x38;
	[tilespmem:$0x1F500] =	vst v63  }
0x39: {  	s17 =	rddreg [dreg:$0xd]  }
0x3a: {  	[spmem:s17] =	stream.linear.scatter [tilespmem:s28], [sflag:$0x5], $0x1C00, $0x38;
	[tilespmem:$0x1F500] =	vst v63  }
0x3b: {  	_ =	swait.ge [sflag:s29], $0x2760  }
0x3c: {  	[sflag:s29] =	ssyncset.done $0x0  }
0x3d: {  	s12 =	simm.s32 $0x0;
	s17 =	rddreg [dreg:$0xe];
	[sflag:s29] =	ssyncadd.s32 $0xFFFFD8A0  }
0x3e: {  	[tilespmem:s30], [sflag:$0x3] =	stream.linear.gather [hbm4b:s17+s12], $0x60, $0x38;
	[tilespmem:$0x1F500] =	vst v63  }
0x3f: {  	s18 =	simm.s32 $0x13C60  }
0x40: {  	[tilespmem:s2], [sflag:$0x3] =	stream.indirect.gather [hbm4b:s0+s31], $0x80, s18, s31, $0xb8;
	[tilespmem:$0x1F500] =	vst v63  }
0x41: {  	s19 =	rddreg [dreg:$0xf]  }
0x42: {  	[tilespmem:s1], [sflag:$0x4] =	stream.linear.gather [hbm4b:s19+s12], $0x60, $0x38;
	[tilespmem:$0x1F500] =	vst v63  }
0x43: {  	s26 =	simm.s32 $0x13CC0  }
0x44: {  	[tilespmem:s7], [sflag:$0x4] =	stream.indirect.gather [hbm4b:s0+s31], $0x80, s26, s31, $0xb8;
	[tilespmem:$0x1F500] =	vst v63  }
0x45: {  	_ =	swait.ge [sflag:s8], $0x3000  }
0x46: {  	[sflag:s8] =	ssyncset.done $0x0  }
0x47: {  	[sflag:s8] =	ssyncadd.s32 $0xFFFFD000  }
0x48: {  	_ =	swait.ge [sflag:s9], $0x3000  }
0x49: {  	[sflag:s9] =	ssyncset.done $0x0  }
0x4a: {  	[sflag:s9] =	ssyncadd.s32 $0xFFFFD000  }
0x4b: {  	_ =	swait.ge [sflag:s10], $0x3000  }
0x4c: {  	[sflag:s10] =	ssyncset.done $0x0  }
0x4d: {  	[sflag:s10] =	ssyncadd.s32 $0xFFFFD000  }
0x4e: {  	_ =	swait.ge [sflag:s8], $0x3000  }
0x4f: {  	[sflag:s8] =	ssyncset.done $0x0  }
0x50: {  	[sflag:s8] =	ssyncadd.s32 $0xFFFFD000  }
0x51: {  	_ =	swait.ge [sflag:s9], $0x3000  }
0x52: {  	[sflag:s9] =	ssyncset.done $0x0  }
0x53: {  	[sflag:s9] =	ssyncadd.s32 $0xFFFFD000  }
0x54: {  	_ =	swait.ge [sflag:s10], $0x3000  }
0x55: {  	[sflag:s10] =	ssyncset.done $0x0  }
0x56: {  	[sflag:s10] =	ssyncadd.s32 $0xFFFFD000  }
0x57: {  	_ =	swait.ge [sflag:s8], $0x1C00  }
0x58: {  	[sflag:s8] =	ssyncset.done $0x0  }
0x59: {  	s18 =	rddreg [dreg:$0xb];
	[sflag:s8] =	ssyncadd.s32 $0xFFFFE400  }
0x5a: {  	[tilespmem:s11], [sflag:$0x2] =	stream.linear.gather [hbm4b:s18+s12], $0x60, $0x38;
	[tilespmem:$0x1F500] =	vst v63  }
0x5b: {  	_ = 	snop  }
0x5c: {  	[tilespmem:s28], [sflag:$0x2] =	stream.indirect.gather [hbm4b:s0+s31], $0x80, s20, s31, $0xb8;
	[tilespmem:$0x1F500] =	vst v63  }
0x5d: {  	[bflag:$0x0] =	sbarrier.arrive $0xFFFF  }
0x5e: {  	_ =	swait.ge [sflag:s13], $0x3000  }
0x5f: {  	[sflag:s13] =	ssyncset.done $0x0  }
0x60: {  	[sflag:s13] =	ssyncadd.s32 $0xFFFFD000  }
0x61: {  	_ =	swait.ge [sflag:s13], $0x60  }
0x62: {  	[sflag:s13] =	ssyncset.done $0x0  }
0x63: {  	[sflag:s13] =	ssyncadd.s32 $0xFFFFFFA0  }
0x64: {  	[spmem:s4] =	stream.indirect.scatter.add.f32 [tilespmem:s28], [sflag:$0x5], $0x80, s11, s31, $0xb8;
	[tilespmem:$0x1F500] =	vst v63  }
0x65: {  	_ =	swait.ge [sflag:s14], $0x3000  }
0x66: {  	[sflag:s14] =	ssyncset.done $0x0  }
0x67: {  	[sflag:s14] =	ssyncadd.s32 $0xFFFFD000  }
0x68: {  	_ =	swait.ge [sflag:s14], $0x60  }
0x69: {  	[sflag:s14] =	ssyncset.done $0x0  }
0x6a: {  	[sflag:s14] =	ssyncadd.s32 $0xFFFFFFA0  }
0x6b: {  	[spmem:s4] =	stream.indirect.scatter.add.f32 [tilespmem:s2], [sflag:$0x6], $0x80, s30, s31, $0xb8;
	[tilespmem:$0x1F500] =	vst v63  }
0x6c: {  	_ =	swait.ge [sflag:s15], $0x3000  }
0x6d: {  	[sflag:s15] =	ssyncset.done $0x0  }
0x6e: {  	[sflag:s15] =	ssyncadd.s32 $0xFFFFD000  }
0x6f: {  	_ =	swait.ge [sflag:s15], $0x60  }
0x70: {  	[sflag:s15] =	ssyncset.done $0x0  }
0x71: {  	[sflag:s15] =	ssyncadd.s32 $0xFFFFFFA0  }
0x72: {  	[spmem:s4] =	stream.indirect.scatter.add.f32 [tilespmem:s7], [sflag:$0x7], $0x80, s1, s31, $0xb8;
	[tilespmem:$0x1F500] =	vst v63  }
0x73: {  	_ =	swait.ge [sflag:s8], $0x3000  }
0x74: {  	s19 =	sshrl.u32 s23, $0x3;
	[sflag:s8] =	ssyncset.done $0x0  }
0x75: {  	s12 =	sadd.s32 s3, s19;
	[sflag:s8] =	ssyncadd.s32 $0xFFFFD000  }
0x76: {  	[tilespmem:s11], [sflag:$0x2] =	stream.linear.gather [hbm4b:s12+s5], $0x60, $0x38;
	[tilespmem:$0x1F500] =	vst v63  }
0x77: {  	s20 =	simm.s32 $0x13D20  }
0x78: {  	[tilespmem:s28], [sflag:$0x2] =	stream.indirect.gather [hbm4b:s0+s31], $0x80, s20, s31, $0xb8;
	[tilespmem:$0x1F500] =	vst v63  }
0x79: {  	_ =	swait.ge [sflag:s9], $0x3000  }
0x7a: {  	[sflag:s9] =	ssyncset.done $0x0  }
0x7b: {  	[sflag:s9] =	ssyncadd.s32 $0xFFFFD000  }
0x7c: {  	[tilespmem:s30], [sflag:$0x3] =	stream.linear.gather [hbm4b:s22+s5], $0x60, $0x38;
	[tilespmem:$0x1F500] =	vst v63  }
0x7d: {  	s26 =	simm.s32 $0x13D80  }
0x7e: {  	[tilespmem:s2], [sflag:$0x3] =	stream.indirect.gather [hbm4b:s0+s31], $0x80, s26, s31, $0xb8;
	[tilespmem:$0x1F500] =	vst v63  }
0x7f: {  	s17 =	simm.s32 $0x480;
	_ =	swait.ge [sflag:s10], $0x3000  }
0x80: {  	s18 =	sadd.s32 $0x120, s23;
	s19 =	sadd.s32 $0x24, s21;
	[sflag:s10] =	ssyncset.done $0x0  }
0x81: {  	s12 =	sadd.s32 $0x24, s22;
	s20 =	simm.s32 $0x13DE0;
	[sflag:s10] =	ssyncadd.s32 $0xFFFFD000  }
0x82: {  	[tilespmem:s1], [sflag:$0x4] =	stream.linear.gather [hbm4b:s21+s5], $0x60, $0x38;
	[tilespmem:$0x1F500] =	vst v63  }
.LBB2_4:
0x83: {  	[tilespmem:s7], [sflag:$0x4] =	stream.indirect.gather [hbm4b:s0+s31], $0x80, s20, s31, $0xb8;
	[tilespmem:$0x1F500] =	vst v63  }
0x84: {  	s20 =	smov.u32 s17  }
0x85: {  	p1 =	sne.s32 s17, $0x9480;
	s17 =	sadd.s32 $0x480, s17;
	_ =	swait.ge [sflag:s13], $0x3000  }
0x86: {  	[sflag:s13] =	ssyncset.done $0x0  }
0x87: {  	[sflag:s13] =	ssyncadd.s32 $0xFFFFD000  }
0x88: {  	_ =	swait.ge [sflag:s13], $0x60  }
0x89: {  	[sflag:s13] =	ssyncset.done $0x0  }
0x8a: {  	[sflag:s13] =	ssyncadd.s32 $0xFFFFFFA0  }
0x8b: {  	[spmem:s4] =	stream.indirect.scatter.add.f32 [tilespmem:s28], [sflag:$0x5], $0x80, s11, s31, $0xb8;
	[tilespmem:$0x1F500] =	vst v63  }
0x8c: {  	_ =	swait.ge [sflag:s14], $0x3000  }
0x8d: {  	[sflag:s14] =	ssyncset.done $0x0  }
0x8e: {  	[sflag:s14] =	ssyncadd.s32 $0xFFFFD000  }
0x8f: {  	_ =	swait.ge [sflag:s14], $0x60  }
0x90: {  	[sflag:s14] =	ssyncset.done $0x0  }
0x91: {  	[sflag:s14] =	ssyncadd.s32 $0xFFFFFFA0  }
0x92: {  	[spmem:s4] =	stream.indirect.scatter.add.f32 [tilespmem:s2], [sflag:$0x6], $0x80, s30, s31, $0xb8;
	[tilespmem:$0x1F500] =	vst v63  }
0x93: {  	_ =	swait.ge [sflag:s15], $0x3000  }
0x94: {  	[sflag:s15] =	ssyncset.done $0x0  }
0x95: {  	[sflag:s15] =	ssyncadd.s32 $0xFFFFD000  }
0x96: {  	_ =	swait.ge [sflag:s15], $0x60  }
0x97: {  	[sflag:s15] =	ssyncset.done $0x0  }
0x98: {  	[sflag:s15] =	ssyncadd.s32 $0xFFFFFFA0  }
0x99: {  	[spmem:s4] =	stream.indirect.scatter.add.f32 [tilespmem:s7], [sflag:$0x7], $0x80, s1, s31, $0xb8;
	[tilespmem:$0x1F500] =	vst v63  }
0x9a: {  	_ =	swait.ge [sflag:s8], $0x3000  }
0x9b: {  	s26 =	sshrl.u32 s18, $0x3;
	[sflag:s8] =	ssyncset.done $0x0  }
0x9c: {  	s26 =	sadd.s32 s3, s26;
	s20 =	sshra.s32 s20, $0x2;
	[sflag:s8] =	ssyncadd.s32 $0xFFFFD000  }
0x9d: {  	[tilespmem:s11], [sflag:$0x2] =	stream.linear.gather [hbm4b:s26+s5], $0x60, $0x38;
	[tilespmem:$0x1F500] =	vst v63  }
0x9e: {  	s26 =	sadd.s32 $0x13D20, s20  }
0x9f: {  	[tilespmem:s28], [sflag:$0x2] =	stream.indirect.gather [hbm4b:s0+s31], $0x80, s26, s31, $0xb8;
	[tilespmem:$0x1F500] =	vst v63  }
0xa0: {  	_ =	swait.ge [sflag:s9], $0x3000  }
0xa1: {  	[sflag:s9] =	ssyncset.done $0x0  }
0xa2: {  	[sflag:s9] =	ssyncadd.s32 $0xFFFFD000  }
0xa3: {  	[tilespmem:s30], [sflag:$0x3] =	stream.linear.gather [hbm4b:s12+s5], $0x60, $0x38;
	[tilespmem:$0x1F500] =	vst v63  }
0xa4: {  	s26 =	sadd.s32 $0x13D80, s20  }
0xa5: {  	[tilespmem:s2], [sflag:$0x3] =	stream.indirect.gather [hbm4b:s0+s31], $0x80, s26, s31, $0xb8;
	[tilespmem:$0x1F500] =	vst v63  }
.Ltmp1:
0xa6: {  	_ =	swait.ge [sflag:s10], $0x3000;
	(pc) =	sbr.rel @p1 .LBB2_4-.Ltmp1, $4  }
0xa7: {  	[sflag:s10] =	ssyncset.done $0x0  }
0xa8: {  	s18 =	sadd.s32 $0x120, s18;
	[sflag:s10] =	ssyncadd.s32 $0xFFFFD000  }
0xa9: {  	[tilespmem:s1], [sflag:$0x4] =	stream.linear.gather [hbm4b:s19+s5], $0x60, $0x38;
	[tilespmem:$0x1F500] =	vst v63  }
0xaa: {  	s20 =	sadd.s32 $0x13DE0, s20;
	s12 =	sadd.s32 $0x24, s12;
	s19 =	sadd.s32 $0x24, s19  }
0xab: {  	[tilespmem:s7], [sflag:$0x4] =	stream.indirect.gather [hbm4b:s0+s31], $0x80, s20, s31, $0xb8;
	[tilespmem:$0x1F500] =	vst v63  }
0xac: {  	_ =	swait.ge [sflag:s13], $0x3000  }
0xad: {  	[sflag:s13] =	ssyncset.done $0x0  }
0xae: {  	[sflag:s13] =	ssyncadd.s32 $0xFFFFD000  }
0xaf: {  	_ =	swait.ge [sflag:s13], $0x60  }
0xb0: {  	[sflag:s13] =	ssyncset.done $0x0  }
0xb1: {  	[sflag:s13] =	ssyncadd.s32 $0xFFFFFFA0  }
0xb2: {  	[spmem:s4] =	stream.indirect.scatter.add.f32 [tilespmem:s28], [sflag:$0x5], $0x80, s11, s31, $0xb8;
	[tilespmem:$0x1F500] =	vst v63  }
0xb3: {  	_ =	swait.ge [sflag:s14], $0x3000  }
0xb4: {  	[sflag:s14] =	ssyncset.done $0x0  }
0xb5: {  	[sflag:s14] =	ssyncadd.s32 $0xFFFFD000  }
0xb6: {  	_ =	swait.ge [sflag:s14], $0x60  }
0xb7: {  	[sflag:s14] =	ssyncset.done $0x0  }
0xb8: {  	[sflag:s14] =	ssyncadd.s32 $0xFFFFFFA0  }
0xb9: {  	[spmem:s4] =	stream.indirect.scatter.add.f32 [tilespmem:s2], [sflag:$0x6], $0x80, s30, s31, $0xb8;
	[tilespmem:$0x1F500] =	vst v63  }
0xba: {  	_ =	swait.ge [sflag:s15], $0x3000  }
0xbb: {  	[sflag:s15] =	ssyncset.done $0x0  }
0xbc: {  	[sflag:s15] =	ssyncadd.s32 $0xFFFFD000  }
0xbd: {  	_ =	swait.ge [sflag:s15], $0x60  }
0xbe: {  	[sflag:s15] =	ssyncset.done $0x0  }
0xbf: {  	[sflag:s15] =	ssyncadd.s32 $0xFFFFFFA0  }
0xc0: {  	[spmem:s4] =	stream.indirect.scatter.add.f32 [tilespmem:s7], [sflag:$0x7], $0x80, s1, s31, $0xb8;
	[tilespmem:$0x1F500] =	vst v63  }
0xc1: {  	_ =	swait.ge [sflag:s8], $0x3000  }
0xc2: {  	[sflag:s8] =	ssyncset.done $0x0  }
0xc3: {  	[sflag:s8] =	ssyncadd.s32 $0xFFFFD000  }
0xc4: {  	_ =	swait.ge [sflag:s9], $0x3000  }
0xc5: {  	[sflag:s9] =	ssyncset.done $0x0  }
0xc6: {  	[sflag:s9] =	ssyncadd.s32 $0xFFFFD000  }
0xc7: {  	_ =	swait.ge [sflag:s10], $0x3000  }
0xc8: {  	[sflag:s10] =	ssyncset.done $0x0  }
0xc9: {  	[sflag:s10] =	ssyncadd.s32 $0xFFFFD000  }
0xca: {  	[bflag:$0x0] =	sbarrier.arrive $0xFFFF  }
0xcb: {  	s12 =	simm.s32 @p0 $0x1FC8;
	s17 =	rddreg [dreg:$0x12]  }
0xcc: {  	[hbm:s17], [sflag:s12] =	dma.local @p0 [spmem:s24], $0x2080  }
0xcd: {  	s12 =	simm.s32 @p0 $0x8  }
0xce: {  	s17 =	stileid.u32;
	_ =	swait.ge @p0 [sflag:s12], $0x2080  }
0xcf: {  	s18 =	sshrl.u32 @!p0 s6, $0x3;
	s17 =	sshll.u32 @!p0 s17, $0x6;
	[sflag:s12] =	ssyncset.done @p0 $0x0  }
0xd0: {  	s19 =	rddreg [dreg:$0x10];
	[sflag:s12] =	ssyncadd.s32 @p0 $0xFFFFDF80;
	s12 =	sor.u32 @!p0 $0x1C02, s17  }
0xd1: {  	[hbm:s19], [sflag:s12] =	dma.local @!p0 [spmem:s18], $0x1380  }
0xd2: {  	s12 =	sor.u32 @!p0 $0x1C03, s17;
	s17 =	rddreg [dreg:$0x11]  }
0xd3: {  	[hbm:s17], [sflag:s12] =	dma.local @!p0 [spmem:s25], $0x1400  }
0xd4: {  	s12 =	simm.s32 @!p0 $0x2  }
0xd5: {  	_ =	swait.ge @!p0 [sflag:s12], $0x1380  }
0xd6: {  	[sflag:s12] =	ssyncset.done @!p0 $0x0  }
0xd7: {  	[sflag:s12] =	ssyncadd.s32 @!p0 $0xFFFFEC80;
	s12 =	simm.s32 @!p0 $0x3  }
0xd8: {  	_ =	swait.ge @!p0 [sflag:s12], $0x1400  }
0xd9: {  	s16 =	sadd.s32 $0x1, s16;
	s26 =	rddreg [dreg:$0x13]  }
0xda: {  	p1 =	sne.s32 s16, s26  }
.Ltmp2:
0xdb: {  	_ = 	snop;
	(pc) =	sbr.rel @p1 .LBB2_1-.Ltmp2, $3  }
0xdc: {  	_ =	sdelay $0x1  }
0xdd: {  	[sflag:s12] =	ssyncset.done @!p0 $0x0  }
0xde: {  	s20 =	simm.s32 $0x13C00;
	[sflag:s12] =	ssyncadd.s32 @!p0 $0xFFFFEC00  }
0xdf: {  	_ =	sfence.sel $0x180000  }
0xe0: {  	[bflag:$0x0] =	sbarrier.arrive $0xFFFF  }
0xe1: {  	_ =	strace $0x90000047  }
0xe2: {  	s0 =	stileid.u32;
	[bflag:$0x2] =	sbarrier.arrive $0xFFFF  }
0xe3: {  	p0 =	sne.s32 s0, $0x0;
	s0 =	rddreg [dreg:$0x5]  }
0xe4: {  	s0 =	sadd.s32 @!p0 $0x100000, s0  }
0xe5: {  	[sflag:s0] =	ssyncadd.tile.s32 @!p0 $0x1;
	_ =	shalt  }
.Lfunc_end2:
_tile_overlayer_lowered:
.L_overlay_start_2:
0xe6: {  	(tag) =	ssettag $0x2  }
0xe7: {  	s0 =	rddreg [dreg:$0x0];
	s2 =	stileid.u32  }
0xe8: {  	s1 =	rddreg [dreg:$0x1];
	p0 =	sne.s32 s2, $0x0  }
0xe9: {  	s3 =	rddreg [dreg:$0x2];
	[bflag:$0x3] =	sbarrier.arrive $0xFFFF;
	s2 =	simm.s32 @!p0 $0x1C08  }
0xea: {  	[timem:s3], [sflag:s2] =	dma.local @!p0 [hbm:s0], s1  }
0xeb: {  	s0 =	simm.s32 @!p0 $0x8  }
0xec: {  	_ =	swait.ge @!p0 [sflag:s0], s1  }
0xed: {  	s1 =	ssub.s32 @!p0 $0x0, s1;
	[sflag:s0] =	ssyncset.done @!p0 $0x0  }
0xee: {  	[sflag:s0] =	ssyncadd.s32 @!p0 s1  }
0xef: {  	[bflag:$0x3] =	sbarrier.arrive $0xFFFF  }
0xf0: {  	_ =	shalt  }

</sc_bundles>
